<compile_context>
chip_gen: v7x
topology: tpu7x:2x2x1
jax: 0.10.2.dev20260603
libtpu: 0.0.44.dev20260713+nightly
codegen_flags: <defaults>
</compile_context>

<pallas_src>
import functools

import jax
import jax.numpy as jnp
from jax import lax
from jax.experimental import pallas as pl
from jax.experimental.pallas import tpu as pltpu
from jax.experimental.pallas import tpu_sc as plsc

_H, _W, _D = 32, 32, 768
_B = 64
_EXTRA = 1
_HW = _H * _W
_T = _HW + _EXTRA

_NC, _NS = 2, 16
_NW = _NC * _NS
_BPW = _B // _NW
_CHUNK = 64
_NFULL = 15
_TAIL = 72
_LANES = 16


def _sc_body(coords_hbm, pos_hbm, out_hbm, cidx_v, idx_v,
             buf_a, buf_b, row_v, sem_a, sem_b):
    wid = lax.axis_index("s") * _NC + lax.axis_index("c")

    def start64(j, buf, sem):
        pltpu.make_async_copy(
            pos_hbm.at[idx_v.at[pl.ds(j * _CHUNK, _CHUNK)]],
            buf.at[pl.ds(0, _CHUNK)], sem).start()

    def wait64(buf, sem):
        pltpu.make_async_copy(
            pos_hbm.at[idx_v.at[pl.ds(0, _CHUNK)]],
            buf.at[pl.ds(0, _CHUNK)], sem).wait()

    def write64(j, b, buf):
        pltpu.sync_copy(buf.at[pl.ds(0, _CHUNK)],
                        out_hbm.at[b, pl.ds(j * _CHUNK, _CHUNK)])

    for i in range(_BPW):
        b = wid * _BPW + i

        pltpu.sync_copy(coords_hbm.at[b], cidx_v)

        idx_v[pl.ds(0, _LANES)] = jnp.zeros((_LANES,), jnp.int32)

        def idx_step(j, carry):
            lanes = lax.iota(jnp.int32, _LANES)
            pos = lanes * 2 + j * (2 * _LANES)
            r = plsc.load_gather(cidx_v, [pos])
            c = plsc.load_gather(cidx_v, [pos + 1])
            plsc.store_scatter(idx_v, [lanes + (1 + j * _LANES)],
                               r * _W + c + _EXTRA)
            return carry

        lax.fori_loop(0, _HW // _LANES, idx_step, 0)

        last = jnp.full((_LANES,), 2 * _HW - 2, jnp.int32)
        rl = plsc.load_gather(cidx_v, [last])
        cl = plsc.load_gather(cidx_v, [last + 1])
        idx_v[pl.ds(_HW, _LANES)] = rl * _W + cl + _EXTRA

        start64(0, buf_a, sem_a)

        def pair_step(jj, carry):
            j0 = jj * 2
            start64(j0 + 1, buf_b, sem_b)
            wait64(buf_a, sem_a)
            write64(j0, b, buf_a)
            start64(j0 + 2, buf_a, sem_a)
            wait64(buf_b, sem_b)
            write64(j0 + 1, b, buf_b)
            return carry

        lax.fori_loop(0, (_NFULL - 1) // 2, pair_step, 0)

        tail = pltpu.make_async_copy(
            pos_hbm.at[idx_v.at[pl.ds(_NFULL * _CHUNK, _TAIL)]], buf_b, sem_b)
        tail.start()
        wait64(buf_a, sem_a)
        write64(_NFULL - 1, b, buf_a)
        tail.wait()
        write64(_NFULL, b, buf_b)

        def row_step(t, carry):
            row_v[0, pl.ds(t * _LANES, _LANES)] = \
                buf_b[_CHUNK, pl.ds(t * _LANES, _LANES)]
            return carry

        lax.fori_loop(0, _D // _LANES, row_step, 0)
        pltpu.sync_copy(row_v, out_hbm.at[b, pl.ds(_T - 1, 1)])


@jax.jit
def _sc_call(coords2d, pos2d):
    mesh = plsc.VectorSubcoreMesh(core_axis_name="c", subcore_axis_name="s")
    return pl.kernel(
        _sc_body,
        out_type=jax.ShapeDtypeStruct((_B, _T, _D), jnp.float32),
        mesh=mesh,
        compiler_params=pltpu.CompilerParams(needs_layout_passes=False),
        scratch_types=[
            pltpu.VMEM((2 * _HW,), jnp.int32),
            pltpu.VMEM((1152,), jnp.int32),
            pltpu.VMEM((_TAIL, _D), jnp.float32),
            pltpu.VMEM((_TAIL, _D), jnp.float32),
            pltpu.VMEM((1, _D), jnp.float32),
            pltpu.SemaphoreType.DMA,
            pltpu.SemaphoreType.DMA,
        ],
    )(coords2d, pos2d)


def kernel(coords, pos_embed):
    coords2d = coords.reshape(_B, 2 * _HW).astype(jnp.int32)
    pos2d = pos_embed.reshape(_EXTRA + _HW, _D)
    return _sc_call(coords2d, pos2d)

# --- scband reference (transcript-rebuilt; emitter-appended) ---
"""Pipeline reference for scband-abstract-positional-embedding2-d-44238163149152 (READ-ONLY COPY).

The authoritative reference and input builder live on the scoring server;
editing this copy changes nothing except your own understanding.
"""

import jax, jax.numpy as jnp
import numpy as np

H, W, D = 32, 32, 768
B = 64
NUM_EXTRA = 1

def setup_inputs(seed: int = 0) -> dict:
    key = jax.random.key(seed)
    k1, k2 = jax.random.split(key)
    coords = jax.random.randint(k1, (B, H * W, 2), 0, 32, dtype=jnp.int64 if jax.config.read('jax_enable_x64') else jnp.int32)
    pos_embed = jax.random.normal(k2, (1, NUM_EXTRA + H * W, D), dtype=jnp.float32) * 0.02
    return {"coords": coords, "pos_embed": pos_embed}

def reference(coords, pos_embed):
    # num_tokens_coords == H*W, so the direct-gather branch is taken (no interpolation)
    cls_embedding = pos_embed[:, :NUM_EXTRA, :]
    pe = pos_embed[:, NUM_EXTRA:, :].reshape(H, W, D)
    gathered = pe[coords[:, :, 0], coords[:, :, 1], :]  # [B, H*W, D]
    batch = gathered.shape[0]
    cls_exp = jnp.broadcast_to(cls_embedding, (batch, 1, D))
    return jnp.concatenate([cls_exp, gathered], axis=1)

if __name__ == "__main__":
    import jax
    _d = setup_inputs()
    print(jax.jit(kernel)(*tuple(_d.values())))

</pallas_src>

<mosaic_0001>
#map = affine_map<(d0, d1) -> (0, 0)>
#map1 = affine_map<(d0, d1) -> (0, 0, 0)>
module attributes {stable_mosaic.version = 14 : i64} {
  func.func @_sc_body(%arg0: i32, %arg1: i32, %arg2: memref<64x2048xi32, #tpu.memory_space<hbm>>, %arg3: memref<1025x768xf32, #tpu.memory_space<hbm>>, %arg4: memref<64x1025x768xf32, #tpu.memory_space<hbm>>, %arg5: memref<2048xi32, #tpu.memory_space<vmem>>, %arg6: memref<1152xi32, #tpu.memory_space<vmem>>, %arg7: memref<72x768xf32, #tpu.memory_space<vmem>>, %arg8: memref<72x768xf32, #tpu.memory_space<vmem>>, %arg9: memref<1x768xf32, #tpu.memory_space<vmem>>, %arg10: memref<!tpu.dma_semaphore, #tpu.memory_space<semaphore_mem>>, %arg11: memref<!tpu.dma_semaphore, #tpu.memory_space<semaphore_mem>>) attributes {dimension_semantics = [#tpu.dimension_semantics<core_parallel>, #tpu.dimension_semantics<subcore_parallel>], iteration_bounds = array<i64: 2, 16>, scalar_prefetch = 0 : i64, scratch_operands = 7 : i64, tpu.core_type = #tpu.core_type<sc_vector_subcore>, window_params = [{transform_indices = #map}, {transform_indices = #map}, {transform_indices = #map1}]} {
    %mul3A = arith.constant 2 : i32
    %mul3A_0 = arith.muli %arg1, %mul3A : i32
    %add3A = arith.addi %mul3A_0, %arg0 : i32
    %mul3A_1 = arith.constant 2 : i32
    %mul3A_2 = arith.muli %add3A, %mul3A_1 : i32
    %add3A_3 = arith.constant 0 : i32
    %add3A_4 = arith.addi %mul3A_2, %add3A_3 : i32
    "tpu.region"() ({
      %run_scoped3A = tpu.sem_alloc : memref<!tpu.dma_semaphore, #tpu.memory_space<semaphore_mem>>
      %dma_start3A_131 = arith.constant 0 : i32
      %dma_start3A_132 = tpu.memref_slice %arg2[%add3A_4, %dma_start3A_131] : memref<64x2048xi32, #tpu.memory_space<hbm>> -> memref<1x2048xi32, #tpu.memory_space<hbm>>
      %dma_start3A_133 = tpu.memref_squeeze %dma_start3A_132 : memref<1x2048xi32, #tpu.memory_space<hbm>> -> memref<2048xi32, #tpu.memory_space<hbm>>
      %dma_start3A_134 = arith.constant 0 : i32
      %dma_start3A_135 = tpu.memref_slice %arg2[%add3A_4, %dma_start3A_134] : memref<64x2048xi32, #tpu.memory_space<hbm>> -> memref<1x2048xi32, #tpu.memory_space<hbm>>
      %dma_start3A_136 = tpu.memref_squeeze %dma_start3A_135 : memref<1x2048xi32, #tpu.memory_space<hbm>> -> memref<2048xi32, #tpu.memory_space<hbm>>
      tpu.enqueue_dma source(%dma_start3A_136 : memref<2048xi32, #tpu.memory_space<hbm>>) target(%arg5 : memref<2048xi32, #tpu.memory_space<vmem>>) target_semaphore(%run_scoped3A : memref<!tpu.dma_semaphore, #tpu.memory_space<semaphore_mem>>)
      %dma_wait3A_137 = arith.constant 0 : i32
      %dma_wait3A_138 = tpu.memref_slice %arg2[%add3A_4, %dma_wait3A_137] : memref<64x2048xi32, #tpu.memory_space<hbm>> -> memref<1x2048xi32, #tpu.memory_space<hbm>>
      %dma_wait3A_139 = tpu.memref_squeeze %dma_wait3A_138 : memref<1x2048xi32, #tpu.memory_space<hbm>> -> memref<2048xi32, #tpu.memory_space<hbm>>
      %dma_wait3A_140 = arith.constant 0 : i32
      %dma_wait3A_141 = tpu.memref_slice %arg2[%add3A_4, %dma_wait3A_140] : memref<64x2048xi32, #tpu.memory_space<hbm>> -> memref<1x2048xi32, #tpu.memory_space<hbm>>
      %dma_wait3A_142 = tpu.memref_squeeze %dma_wait3A_141 : memref<1x2048xi32, #tpu.memory_space<hbm>> -> memref<2048xi32, #tpu.memory_space<hbm>>
      tpu.wait_dma2 semaphore(%run_scoped3A : memref<!tpu.dma_semaphore, #tpu.memory_space<semaphore_mem>>) src(%dma_wait3A_142 : memref<2048xi32, #tpu.memory_space<hbm>>) dst(%arg5 : memref<2048xi32, #tpu.memory_space<vmem>>)
      tpu.yield
    }) : () -> ()
    %broadcast_in_dim3A = arith.constant 0 : i32
    %broadcast_in_dim3A_5 = vector.broadcast %broadcast_in_dim3A : i32 to vector<16xi32>
    %swap3A = arith.constant 0 : index
    %swap3A_6 = tpu.vector_load %arg6[%swap3A] {strides = array<i32>} : memref<1152xi32, #tpu.memory_space<vmem>>, vector<16xi32>,
    tpu.vector_store %arg6[%swap3A], %broadcast_in_dim3A_5 {strides = array<i32>} : memref<1152xi32, #tpu.memory_space<vmem>>, vector<16xi32>,
    %scan3A = arith.constant 0 : i32
    %scan3A_7 = arith.constant 0 : i32
    %scan3A_8 = arith.constant 64 : i32
    %scan3A_9 = arith.addi %scan3A_7, %scan3A_8 : i32
    %scan3A_10 = arith.constant 1 : i32
    scf.for %scan3A_131 = %scan3A_7 to %scan3A_9 step %scan3A_10  : i32 {
      %iota3A = tpu.iota {dimensions = array<i32: 0>} : vector<16xi32>
      %mul3A_132 = arith.constant 2 : i32
      %mul3A_133 = vector.broadcast %mul3A_132 : i32 to vector<16xi32>
      %mul3A_134 = arith.muli %iota3A, %mul3A_133 : vector<16xi32>
      %mul3A_135 = arith.constant 32 : i32
      %mul3A_136 = arith.muli %scan3A_131, %mul3A_135 : i32
      %add3A_137 = vector.broadcast %mul3A_136 : i32 to vector<16xi32>
      %add3A_138 = arith.addi %mul3A_134, %add3A_137 : vector<16xi32>
      %gather3A_139 = tpu.vector_load_idx %arg5[%add3A_138] : memref<2048xi32, #tpu.memory_space<vmem>>[vector<16xi32>], vector<16xi32>,
      %add3A_140 = arith.constant 1 : i32
      %add3A_141 = vector.broadcast %add3A_140 : i32 to vector<16xi32>
      %add3A_142 = arith.addi %add3A_138, %add3A_141 : vector<16xi32>
      %gather3A_143 = tpu.vector_load_idx %arg5[%add3A_142] : memref<2048xi32, #tpu.memory_space<vmem>>[vector<16xi32>], vector<16xi32>,
      %mul3A_144 = arith.constant 16 : i32
      %mul3A_145 = arith.muli %scan3A_131, %mul3A_144 : i32
      %add3A_146 = arith.constant 1 : i32
      %add3A_147 = arith.addi %add3A_146, %mul3A_145 : i32
      %add3A_148 = vector.broadcast %add3A_147 : i32 to vector<16xi32>
      %add3A_149 = arith.addi %iota3A, %add3A_148 : vector<16xi32>
      %mul3A_150 = arith.constant 32 : i32
      %mul3A_151 = vector.broadcast %mul3A_150 : i32 to vector<16xi32>
      %mul3A_152 = arith.muli %gather3A_139, %mul3A_151 : vector<16xi32>
      %add3A_153 = arith.addi %mul3A_152, %gather3A_143 : vector<16xi32>
      %add3A_154 = arith.constant 1 : i32
      %add3A_155 = vector.broadcast %add3A_154 : i32 to vector<16xi32>
      %add3A_156 = arith.addi %add3A_153, %add3A_155 : vector<16xi32>
      tpu.vector_store_idx %arg6[%add3A_149], %add3A_156 : memref<1152xi32, #tpu.memory_space<vmem>>[vector<16xi32>], vector<16xi32>,
    }
    %scan3A_11 = arith.constant 64 : i32
    %broadcast_in_dim3A_12 = arith.constant 2046 : i32
    %broadcast_in_dim3A_13 = vector.broadcast %broadcast_in_dim3A_12 : i32 to vector<16xi32>
    %gather3A = tpu.vector_load_idx %arg5[%broadcast_in_dim3A_13] : memref<2048xi32, #tpu.memory_space<vmem>>[vector<16xi32>], vector<16xi32>,
    %add3A_14 = arith.constant 1 : i32
    %add3A_15 = vector.broadcast %add3A_14 : i32 to vector<16xi32>
    %add3A_16 = arith.addi %broadcast_in_dim3A_13, %add3A_15 : vector<16xi32>
    %gather3A_17 = tpu.vector_load_idx %arg5[%add3A_16] : memref<2048xi32, #tpu.memory_space<vmem>>[vector<16xi32>], vector<16xi32>,
    %mul3A_18 = arith.constant 32 : i32
    %mul3A_19 = vector.broadcast %mul3A_18 : i32 to vector<16xi32>
    %mul3A_20 = arith.muli %gather3A, %mul3A_19 : vector<16xi32>
    %add3A_21 = arith.addi %mul3A_20, %gather3A_17 : vector<16xi32>
    %add3A_22 = arith.constant 1 : i32
    %add3A_23 = vector.broadcast %add3A_22 : i32 to vector<16xi32>
    %add3A_24 = arith.addi %add3A_21, %add3A_23 : vector<16xi32>
    %swap3A_25 = arith.constant 1024 : index
    %swap3A_26 = tpu.vector_load %arg6[%swap3A_25] {strides = array<i32>} : memref<1152xi32, #tpu.memory_space<vmem>>, vector<16xi32>,
    tpu.vector_store %arg6[%swap3A_25], %add3A_24 {strides = array<i32>} : memref<1152xi32, #tpu.memory_space<vmem>>, vector<16xi32>,
    %dma_start3A = arith.constant 0 : i32
    %dma_start3A_27 = arith.constant 0 : i32
    %dma_start3A_28 = tpu.memref_slice %arg7[%dma_start3A, %dma_start3A_27] : memref<72x768xf32, #tpu.memory_space<vmem>> -> memref<64x768xf32, #tpu.memory_space<vmem>>
    %dma_start3A_29 = arith.constant 0 : i32
    %dma_start3A_30 = tpu.memref_slice %arg6[%dma_start3A_29] : memref<1152xi32, #tpu.memory_space<vmem>> -> memref<64xi32, #tpu.memory_space<vmem>>
    %dma_start3A_31 = arith.constant 0 : i32
    %dma_start3A_32 = arith.constant 0 : i32
    %dma_start3A_33 = tpu.memref_slice %arg3[%dma_start3A_31, %dma_start3A_32] : memref<1025x768xf32, #tpu.memory_space<hbm>> -> memref<1025x768xf32, #tpu.memory_space<hbm>>
    tpu.enqueue_indirect_dma source(%dma_start3A_33 : memref<1025x768xf32, #tpu.memory_space<hbm>>) target(%dma_start3A_28 : memref<64x768xf32, #tpu.memory_space<vmem>>) offsets(%dma_start3A_30 : memref<64xi32, #tpu.memory_space<vmem>>) semaphore(%arg10 : memref<!tpu.dma_semaphore, #tpu.memory_space<semaphore_mem>>)
    %scan3A_34 = arith.constant 0 : i32
    %scan3A_35 = arith.constant 0 : i32
    %scan3A_36 = arith.constant 7 : i32
    %scan3A_37 = arith.addi %scan3A_35, %scan3A_36 : i32
    %scan3A_38 = arith.constant 1 : i32
    scf.for %scan3A_131 = %scan3A_35 to %scan3A_37 step %scan3A_38  : i32 {
      %mul3A_132 = arith.constant 2 : i32
      %mul3A_133 = arith.muli %scan3A_131, %mul3A_132 : i32
      %add3A_134 = arith.constant 1 : i32
      %add3A_135 = arith.addi %mul3A_133, %add3A_134 : i32
      %mul3A_136 = arith.constant 64 : i32
      %mul3A_137 = arith.muli %add3A_135, %mul3A_136 : i32
      %dma_start3A_138 = arith.constant 0 : i32
      %dma_start3A_139 = arith.constant 0 : i32
      %dma_start3A_140 = tpu.memref_slice %arg8[%dma_start3A_138, %dma_start3A_139] : memref<72x768xf32, #tpu.memory_space<vmem>> -> memref<64x768xf32, #tpu.memory_space<vmem>>
      %dma_start3A_141 = tpu.memref_slice %arg6[%mul3A_137] : memref<1152xi32, #tpu.memory_space<vmem>> -> memref<64xi32, #tpu.memory_space<vmem>>
      %dma_start3A_142 = arith.constant 0 : i32
      %dma_start3A_143 = arith.constant 0 : i32
      %dma_start3A_144 = tpu.memref_slice %arg3[%dma_start3A_142, %dma_start3A_143] : memref<1025x768xf32, #tpu.memory_space<hbm>> -> memref<1025x768xf32, #tpu.memory_space<hbm>>
      tpu.enqueue_indirect_dma source(%dma_start3A_144 : memref<1025x768xf32, #tpu.memory_space<hbm>>) target(%dma_start3A_140 : memref<64x768xf32, #tpu.memory_space<vmem>>) offsets(%dma_start3A_141 : memref<64xi32, #tpu.memory_space<vmem>>) semaphore(%arg11 : memref<!tpu.dma_semaphore, #tpu.memory_space<semaphore_mem>>)
      %dma_wait3A_145 = arith.constant 0 : i32
      %dma_wait3A_146 = arith.constant 0 : i32
      %dma_wait3A_147 = tpu.memref_slice %arg7[%dma_wait3A_145, %dma_wait3A_146] : memref<72x768xf32, #tpu.memory_space<vmem>> -> memref<64x768xf32, #tpu.memory_space<vmem>>
      %dma_wait3A_148 = arith.constant 0 : i32
      %dma_wait3A_149 = tpu.memref_slice %arg6[%dma_wait3A_148] : memref<1152xi32, #tpu.memory_space<vmem>> -> memref<64xi32, #tpu.memory_space<vmem>>
      %dma_wait3A_150 = arith.constant 0 : i32
      %dma_wait3A_151 = arith.constant 0 : i32
      %dma_wait3A_152 = tpu.memref_slice %arg3[%dma_wait3A_150, %dma_wait3A_151] : memref<1025x768xf32, #tpu.memory_space<hbm>> -> memref<1025x768xf32, #tpu.memory_space<hbm>>
      tpu.wait_indirect_dma semaphore(%arg10 : memref<!tpu.dma_semaphore, #tpu.memory_space<semaphore_mem>>) src(%dma_wait3A_152 : memref<1025x768xf32, #tpu.memory_space<hbm>>) dst(%dma_wait3A_147 : memref<64x768xf32, #tpu.memory_space<vmem>>)
      %mul3A_153 = arith.constant 64 : i32
      %mul3A_154 = arith.muli %mul3A_133, %mul3A_153 : i32
      "tpu.region"() ({
        %run_scoped3A = tpu.sem_alloc : memref<!tpu.dma_semaphore, #tpu.memory_space<semaphore_mem>>
        %dma_start3A_178 = arith.constant 0 : i32
        %dma_start3A_179 = arith.constant 0 : i32
        %dma_start3A_180 = tpu.memref_slice %arg7[%dma_start3A_178, %dma_start3A_179] : memref<72x768xf32, #tpu.memory_space<vmem>> -> memref<64x768xf32, #tpu.memory_space<vmem>>
        %dma_start3A_181 = arith.constant 0 : i32
        %dma_start3A_182 = tpu.memref_slice %arg4[%add3A_4, %mul3A_154, %dma_start3A_181] : memref<64x1025x768xf32, #tpu.memory_space<hbm>> -> memref<1x64x768xf32, #tpu.memory_space<hbm>>
        %dma_start3A_183 = tpu.memref_squeeze %dma_start3A_182 : memref<1x64x768xf32, #tpu.memory_space<hbm>> -> memref<64x768xf32, #tpu.memory_space<hbm>>
        %dma_start3A_184 = arith.constant 0 : i32
        %dma_start3A_185 = tpu.memref_slice %arg4[%add3A_4, %mul3A_154, %dma_start3A_184] : memref<64x1025x768xf32, #tpu.memory_space<hbm>> -> memref<1x64x768xf32, #tpu.memory_space<hbm>>
        %dma_start3A_186 = tpu.memref_squeeze %dma_start3A_185 : memref<1x64x768xf32, #tpu.memory_space<hbm>> -> memref<64x768xf32, #tpu.memory_space<hbm>>
        %dma_start3A_187 = arith.constant 0 : i32
        %dma_start3A_188 = arith.constant 0 : i32
        %dma_start3A_189 = tpu.memref_slice %arg7[%dma_start3A_187, %dma_start3A_188] : memref<72x768xf32, #tpu.memory_space<vmem>> -> memref<64x768xf32, #tpu.memory_space<vmem>>
        tpu.enqueue_dma source(%dma_start3A_189 : memref<64x768xf32, #tpu.memory_space<vmem>>) target(%dma_start3A_186 : memref<64x768xf32, #tpu.memory_space<hbm>>) target_semaphore(%run_scoped3A : memref<!tpu.dma_semaphore, #tpu.memory_space<semaphore_mem>>)
        %dma_wait3A_190 = arith.constant 0 : i32
        %dma_wait3A_191 = arith.constant 0 : i32
        %dma_wait3A_192 = tpu.memref_slice %arg7[%dma_wait3A_190, %dma_wait3A_191] : memref<72x768xf32, #tpu.memory_space<vmem>> -> memref<64x768xf32, #tpu.memory_space<vmem>>
        %dma_wait3A_193 = arith.constant 0 : i32
        %dma_wait3A_194 = tpu.memref_slice %arg4[%add3A_4, %mul3A_154, %dma_wait3A_193] : memref<64x1025x768xf32, #tpu.memory_space<hbm>> -> memref<1x64x768xf32, #tpu.memory_space<hbm>>
        %dma_wait3A_195 = tpu.memref_squeeze %dma_wait3A_194 : memref<1x64x768xf32, #tpu.memory_space<hbm>> -> memref<64x768xf32, #tpu.memory_space<hbm>>
        %dma_wait3A_196 = arith.constant 0 : i32
        %dma_wait3A_197 = tpu.memref_slice %arg4[%add3A_4, %mul3A_154, %dma_wait3A_196] : memref<64x1025x768xf32, #tpu.memory_space<hbm>> -> memref<1x64x768xf32, #tpu.memory_space<hbm>>
        %dma_wait3A_198 = tpu.memref_squeeze %dma_wait3A_197 : memref<1x64x768xf32, #tpu.memory_space<hbm>> -> memref<64x768xf32, #tpu.memory_space<hbm>>
        %dma_wait3A_199 = arith.constant 0 : i32
        %dma_wait3A_200 = arith.constant 0 : i32
        %dma_wait3A_201 = tpu.memref_slice %arg7[%dma_wait3A_199, %dma_wait3A_200] : memref<72x768xf32, #tpu.memory_space<vmem>> -> memref<64x768xf32, #tpu.memory_space<vmem>>
        tpu.wait_dma2 semaphore(%run_scoped3A : memref<!tpu.dma_semaphore, #tpu.memory_space<semaphore_mem>>) src(%dma_wait3A_201 : memref<64x768xf32, #tpu.memory_space<vmem>>) dst(%dma_wait3A_198 : memref<64x768xf32, #tpu.memory_space<hbm>>)
        tpu.yield
      }) : () -> ()
      %add3A_155 = arith.constant 2 : i32
      %add3A_156 = arith.addi %mul3A_133, %add3A_155 : i32
      %mul3A_157 = arith.constant 64 : i32
      %mul3A_158 = arith.muli %add3A_156, %mul3A_157 : i32
      %dma_start3A_159 = arith.constant 0 : i32
      %dma_start3A_160 = arith.constant 0 : i32
      %dma_start3A_161 = tpu.memref_slice %arg7[%dma_start3A_159, %dma_start3A_160] : memref<72x768xf32, #tpu.memory_space<vmem>> -> memref<64x768xf32, #tpu.memory_space<vmem>>
      %dma_start3A_162 = tpu.memref_slice %arg6[%mul3A_158] : memref<1152xi32, #tpu.memory_space<vmem>> -> memref<64xi32, #tpu.memory_space<vmem>>
      %dma_start3A_163 = arith.constant 0 : i32
      %dma_start3A_164 = arith.constant 0 : i32
      %dma_start3A_165 = tpu.memref_slice %arg3[%dma_start3A_163, %dma_start3A_164] : memref<1025x768xf32, #tpu.memory_space<hbm>> -> memref<1025x768xf32, #tpu.memory_space<hbm>>
      tpu.enqueue_indirect_dma source(%dma_start3A_165 : memref<1025x768xf32, #tpu.memory_space<hbm>>) target(%dma_start3A_161 : memref<64x768xf32, #tpu.memory_space<vmem>>) offsets(%dma_start3A_162 : memref<64xi32, #tpu.memory_space<vmem>>) semaphore(%arg10 : memref<!tpu.dma_semaphore, #tpu.memory_space<semaphore_mem>>)
      %dma_wait3A_166 = arith.constant 0 : i32
      %dma_wait3A_167 = arith.constant 0 : i32
      %dma_wait3A_168 = tpu.memref_slice %arg8[%dma_wait3A_166, %dma_wait3A_167] : memref<72x768xf32, #tpu.memory_space<vmem>> -> memref<64x768xf32, #tpu.memory_space<vmem>>
      %dma_wait3A_169 = arith.constant 0 : i32
      %dma_wait3A_170 = tpu.memref_slice %arg6[%dma_wait3A_169] : memref<1152xi32, #tpu.memory_space<vmem>> -> memref<64xi32, #tpu.memory_space<vmem>>
      %dma_wait3A_171 = arith.constant 0 : i32
      %dma_wait3A_172 = arith.constant 0 : i32
      %dma_wait3A_173 = tpu.memref_slice %arg3[%dma_wait3A_171, %dma_wait3A_172] : memref<1025x768xf32, #tpu.memory_space<hbm>> -> memref<1025x768xf32, #tpu.memory_space<hbm>>
      tpu.wait_indirect_dma semaphore(%arg11 : memref<!tpu.dma_semaphore, #tpu.memory_space<semaphore_mem>>) src(%dma_wait3A_173 : memref<1025x768xf32, #tpu.memory_space<hbm>>) dst(%dma_wait3A_168 : memref<64x768xf32, #tpu.memory_space<vmem>>)
      %add3A_174 = arith.constant 1 : i32
      %add3A_175 = arith.addi %mul3A_133, %add3A_174 : i32
      %mul3A_176 = arith.constant 64 : i32
      %mul3A_177 = arith.muli %add3A_175, %mul3A_176 : i32
      "tpu.region"() ({
        %run_scoped3A = tpu.sem_alloc : memref<!tpu.dma_semaphore, #tpu.memory_space<semaphore_mem>>
        %dma_start3A_178 = arith.constant 0 : i32
        %dma_start3A_179 = arith.constant 0 : i32
        %dma_start3A_180 = tpu.memref_slice %arg8[%dma_start3A_178, %dma_start3A_179] : memref<72x768xf32, #tpu.memory_space<vmem>> -> memref<64x768xf32, #tpu.memory_space<vmem>>
        %dma_start3A_181 = arith.constant 0 : i32
        %dma_start3A_182 = tpu.memref_slice %arg4[%add3A_4, %mul3A_177, %dma_start3A_181] : memref<64x1025x768xf32, #tpu.memory_space<hbm>> -> memref<1x64x768xf32, #tpu.memory_space<hbm>>
        %dma_start3A_183 = tpu.memref_squeeze %dma_start3A_182 : memref<1x64x768xf32, #tpu.memory_space<hbm>> -> memref<64x768xf32, #tpu.memory_space<hbm>>
        %dma_start3A_184 = arith.constant 0 : i32
        %dma_start3A_185 = tpu.memref_slice %arg4[%add3A_4, %mul3A_177, %dma_start3A_184] : memref<64x1025x768xf32, #tpu.memory_space<hbm>> -> memref<1x64x768xf32, #tpu.memory_space<hbm>>
        %dma_start3A_186 = tpu.memref_squeeze %dma_start3A_185 : memref<1x64x768xf32, #tpu.memory_space<hbm>> -> memref<64x768xf32, #tpu.memory_space<hbm>>
        %dma_start3A_187 = arith.constant 0 : i32
        %dma_start3A_188 = arith.constant 0 : i32
        %dma_start3A_189 = tpu.memref_slice %arg8[%dma_start3A_187, %dma_start3A_188] : memref<72x768xf32, #tpu.memory_space<vmem>> -> memref<64x768xf32, #tpu.memory_space<vmem>>
        tpu.enqueue_dma source(%dma_start3A_189 : memref<64x768xf32, #tpu.memory_space<vmem>>) target(%dma_start3A_186 : memref<64x768xf32, #tpu.memory_space<hbm>>) target_semaphore(%run_scoped3A : memref<!tpu.dma_semaphore, #tpu.memory_space<semaphore_mem>>)
        %dma_wait3A_190 = arith.constant 0 : i32
        %dma_wait3A_191 = arith.constant 0 : i32
        %dma_wait3A_192 = tpu.memref_slice %arg8[%dma_wait3A_190, %dma_wait3A_191] : memref<72x768xf32, #tpu.memory_space<vmem>> -> memref<64x768xf32, #tpu.memory_space<vmem>>
        %dma_wait3A_193 = arith.constant 0 : i32
        %dma_wait3A_194 = tpu.memref_slice %arg4[%add3A_4, %mul3A_177, %dma_wait3A_193] : memref<64x1025x768xf32, #tpu.memory_space<hbm>> -> memref<1x64x768xf32, #tpu.memory_space<hbm>>
        %dma_wait3A_195 = tpu.memref_squeeze %dma_wait3A_194 : memref<1x64x768xf32, #tpu.memory_space<hbm>> -> memref<64x768xf32, #tpu.memory_space<hbm>>
        %dma_wait3A_196 = arith.constant 0 : i32
        %dma_wait3A_197 = tpu.memref_slice %arg4[%add3A_4, %mul3A_177, %dma_wait3A_196] : memref<64x1025x768xf32, #tpu.memory_space<hbm>> -> memref<1x64x768xf32, #tpu.memory_space<hbm>>
        %dma_wait3A_198 = tpu.memref_squeeze %dma_wait3A_197 : memref<1x64x768xf32, #tpu.memory_space<hbm>> -> memref<64x768xf32, #tpu.memory_space<hbm>>
        %dma_wait3A_199 = arith.constant 0 : i32
        %dma_wait3A_200 = arith.constant 0 : i32
        %dma_wait3A_201 = tpu.memref_slice %arg8[%dma_wait3A_199, %dma_wait3A_200] : memref<72x768xf32, #tpu.memory_space<vmem>> -> memref<64x768xf32, #tpu.memory_space<vmem>>
        tpu.wait_dma2 semaphore(%run_scoped3A : memref<!tpu.dma_semaphore, #tpu.memory_space<semaphore_mem>>) src(%dma_wait3A_201 : memref<64x768xf32, #tpu.memory_space<vmem>>) dst(%dma_wait3A_198 : memref<64x768xf32, #tpu.memory_space<hbm>>)
        tpu.yield
      }) : () -> ()
    }
    %scan3A_39 = arith.constant 7 : i32
    %dma_start3A_40 = arith.constant 960 : i32
    %dma_start3A_41 = tpu.memref_slice %arg6[%dma_start3A_40] : memref<1152xi32, #tpu.memory_space<vmem>> -> memref<72xi32, #tpu.memory_space<vmem>>
    %dma_start3A_42 = arith.constant 0 : i32
    %dma_start3A_43 = arith.constant 0 : i32
    %dma_start3A_44 = tpu.memref_slice %arg3[%dma_start3A_42, %dma_start3A_43] : memref<1025x768xf32, #tpu.memory_space<hbm>> -> memref<1025x768xf32, #tpu.memory_space<hbm>>
    tpu.enqueue_indirect_dma source(%dma_start3A_44 : memref<1025x768xf32, #tpu.memory_space<hbm>>) target(%arg8 : memref<72x768xf32, #tpu.memory_space<vmem>>) offsets(%dma_start3A_41 : memref<72xi32, #tpu.memory_space<vmem>>) semaphore(%arg11 : memref<!tpu.dma_semaphore, #tpu.memory_space<semaphore_mem>>)
    %dma_wait3A = arith.constant 0 : i32
    %dma_wait3A_45 = arith.constant 0 : i32
    %dma_wait3A_46 = tpu.memref_slice %arg7[%dma_wait3A, %dma_wait3A_45] : memref<72x768xf32, #tpu.memory_space<vmem>> -> memref<64x768xf32, #tpu.memory_space<vmem>>
    %dma_wait3A_47 = arith.constant 0 : i32
    %dma_wait3A_48 = tpu.memref_slice %arg6[%dma_wait3A_47] : memref<1152xi32, #tpu.memory_space<vmem>> -> memref<64xi32, #tpu.memory_space<vmem>>
    %dma_wait3A_49 = arith.constant 0 : i32
    %dma_wait3A_50 = arith.constant 0 : i32
    %dma_wait3A_51 = tpu.memref_slice %arg3[%dma_wait3A_49, %dma_wait3A_50] : memref<1025x768xf32, #tpu.memory_space<hbm>> -> memref<1025x768xf32, #tpu.memory_space<hbm>>
    tpu.wait_indirect_dma semaphore(%arg10 : memref<!tpu.dma_semaphore, #tpu.memory_space<semaphore_mem>>) src(%dma_wait3A_51 : memref<1025x768xf32, #tpu.memory_space<hbm>>) dst(%dma_wait3A_46 : memref<64x768xf32, #tpu.memory_space<vmem>>)
    "tpu.region"() ({
      %run_scoped3A = tpu.sem_alloc : memref<!tpu.dma_semaphore, #tpu.memory_space<semaphore_mem>>
      %dma_start3A_131 = arith.constant 0 : i32
      %dma_start3A_132 = arith.constant 0 : i32
      %dma_start3A_133 = tpu.memref_slice %arg7[%dma_start3A_131, %dma_start3A_132] : memref<72x768xf32, #tpu.memory_space<vmem>> -> memref<64x768xf32, #tpu.memory_space<vmem>>
      %dma_start3A_134 = arith.constant 896 : i32
      %dma_start3A_135 = arith.constant 0 : i32
      %dma_start3A_136 = tpu.memref_slice %arg4[%add3A_4, %dma_start3A_134, %dma_start3A_135] : memref<64x1025x768xf32, #tpu.memory_space<hbm>> -> memref<1x64x768xf32, #tpu.memory_space<hbm>>
      %dma_start3A_137 = tpu.memref_squeeze %dma_start3A_136 : memref<1x64x768xf32, #tpu.memory_space<hbm>> -> memref<64x768xf32, #tpu.memory_space<hbm>>
      %dma_start3A_138 = arith.constant 896 : i32
      %dma_start3A_139 = arith.constant 0 : i32
      %dma_start3A_140 = tpu.memref_slice %arg4[%add3A_4, %dma_start3A_138, %dma_start3A_139] : memref<64x1025x768xf32, #tpu.memory_space<hbm>> -> memref<1x64x768xf32, #tpu.memory_space<hbm>>
      %dma_start3A_141 = tpu.memref_squeeze %dma_start3A_140 : memref<1x64x768xf32, #tpu.memory_space<hbm>> -> memref<64x768xf32, #tpu.memory_space<hbm>>
      %dma_start3A_142 = arith.constant 0 : i32
      %dma_start3A_143 = arith.constant 0 : i32
      %dma_start3A_144 = tpu.memref_slice %arg7[%dma_start3A_142, %dma_start3A_143] : memref<72x768xf32, #tpu.memory_space<vmem>> -> memref<64x768xf32, #tpu.memory_space<vmem>>
      tpu.enqueue_dma source(%dma_start3A_144 : memref<64x768xf32, #tpu.memory_space<vmem>>) target(%dma_start3A_141 : memref<64x768xf32, #tpu.memory_space<hbm>>) target_semaphore(%run_scoped3A : memref<!tpu.dma_semaphore, #tpu.memory_space<semaphore_mem>>)
      %dma_wait3A_145 = arith.constant 0 : i32
      %dma_wait3A_146 = arith.constant 0 : i32
      %dma_wait3A_147 = tpu.memref_slice %arg7[%dma_wait3A_145, %dma_wait3A_146] : memref<72x768xf32, #tpu.memory_space<vmem>> -> memref<64x768xf32, #tpu.memory_space<vmem>>
      %dma_wait3A_148 = arith.constant 896 : i32
      %dma_wait3A_149 = arith.constant 0 : i32
      %dma_wait3A_150 = tpu.memref_slice %arg4[%add3A_4, %dma_wait3A_148, %dma_wait3A_149] : memref<64x1025x768xf32, #tpu.memory_space<hbm>> -> memref<1x64x768xf32, #tpu.memory_space<hbm>>
      %dma_wait3A_151 = tpu.memref_squeeze %dma_wait3A_150 : memref<1x64x768xf32, #tpu.memory_space<hbm>> -> memref<64x768xf32, #tpu.memory_space<hbm>>
      %dma_wait3A_152 = arith.constant 896 : i32
      %dma_wait3A_153 = arith.constant 0 : i32
      %dma_wait3A_154 = tpu.memref_slice %arg4[%add3A_4, %dma_wait3A_152, %dma_wait3A_153] : memref<64x1025x768xf32, #tpu.memory_space<hbm>> -> memref<1x64x768xf32, #tpu.memory_space<hbm>>
      %dma_wait3A_155 = tpu.memref_squeeze %dma_wait3A_154 : memref<1x64x768xf32, #tpu.memory_space<hbm>> -> memref<64x768xf32, #tpu.memory_space<hbm>>
      %dma_wait3A_156 = arith.constant 0 : i32
      %dma_wait3A_157 = arith.constant 0 : i32
      %dma_wait3A_158 = tpu.memref_slice %arg7[%dma_wait3A_156, %dma_wait3A_157] : memref<72x768xf32, #tpu.memory_space<vmem>> -> memref<64x768xf32, #tpu.memory_space<vmem>>
      tpu.wait_dma2 semaphore(%run_scoped3A : memref<!tpu.dma_semaphore, #tpu.memory_space<semaphore_mem>>) src(%dma_wait3A_158 : memref<64x768xf32, #tpu.memory_space<vmem>>) dst(%dma_wait3A_155 : memref<64x768xf32, #tpu.memory_space<hbm>>)
      tpu.yield
    }) : () -> ()
    %dma_wait3A_52 = arith.constant 960 : i32
    %dma_wait3A_53 = tpu.memref_slice %arg6[%dma_wait3A_52] : memref<1152xi32, #tpu.memory_space<vmem>> -> memref<72xi32, #tpu.memory_space<vmem>>
    %dma_wait3A_54 = arith.constant 0 : i32
    %dma_wait3A_55 = arith.constant 0 : i32
    %dma_wait3A_56 = tpu.memref_slice %arg3[%dma_wait3A_54, %dma_wait3A_55] : memref<1025x768xf32, #tpu.memory_space<hbm>> -> memref<1025x768xf32, #tpu.memory_space<hbm>>
    tpu.wait_indirect_dma semaphore(%arg11 : memref<!tpu.dma_semaphore, #tpu.memory_space<semaphore_mem>>) src(%dma_wait3A_56 : memref<1025x768xf32, #tpu.memory_space<hbm>>) dst(%arg8 : memref<72x768xf32, #tpu.memory_space<vmem>>)
    "tpu.region"() ({
      %run_scoped3A = tpu.sem_alloc : memref<!tpu.dma_semaphore, #tpu.memory_space<semaphore_mem>>
      %dma_start3A_131 = arith.constant 0 : i32
      %dma_start3A_132 = arith.constant 0 : i32
      %dma_start3A_133 = tpu.memref_slice %arg8[%dma_start3A_131, %dma_start3A_132] : memref<72x768xf32, #tpu.memory_space<vmem>> -> memref<64x768xf32, #tpu.memory_space<vmem>>
      %dma_start3A_134 = arith.constant 960 : i32
      %dma_start3A_135 = arith.constant 0 : i32
      %dma_start3A_136 = tpu.memref_slice %arg4[%add3A_4, %dma_start3A_134, %dma_start3A_135] : memref<64x1025x768xf32, #tpu.memory_space<hbm>> -> memref<1x64x768xf32, #tpu.memory_space<hbm>>
      %dma_start3A_137 = tpu.memref_squeeze %dma_start3A_136 : memref<1x64x768xf32, #tpu.memory_space<hbm>> -> memref<64x768xf32, #tpu.memory_space<hbm>>
      %dma_start3A_138 = arith.constant 960 : i32
      %dma_start3A_139 = arith.constant 0 : i32
      %dma_start3A_140 = tpu.memref_slice %arg4[%add3A_4, %dma_start3A_138, %dma_start3A_139] : memref<64x1025x768xf32, #tpu.memory_space<hbm>> -> memref<1x64x768xf32, #tpu.memory_space<hbm>>
      %dma_start3A_141 = tpu.memref_squeeze %dma_start3A_140 : memref<1x64x768xf32, #tpu.memory_space<hbm>> -> memref<64x768xf32, #tpu.memory_space<hbm>>
      %dma_start3A_142 = arith.constant 0 : i32
      %dma_start3A_143 = arith.constant 0 : i32
      %dma_start3A_144 = tpu.memref_slice %arg8[%dma_start3A_142, %dma_start3A_143] : memref<72x768xf32, #tpu.memory_space<vmem>> -> memref<64x768xf32, #tpu.memory_space<vmem>>
      tpu.enqueue_dma source(%dma_start3A_144 : memref<64x768xf32, #tpu.memory_space<vmem>>) target(%dma_start3A_141 : memref<64x768xf32, #tpu.memory_space<hbm>>) target_semaphore(%run_scoped3A : memref<!tpu.dma_semaphore, #tpu.memory_space<semaphore_mem>>)
      %dma_wait3A_145 = arith.constant 0 : i32
      %dma_wait3A_146 = arith.constant 0 : i32
      %dma_wait3A_147 = tpu.memref_slice %arg8[%dma_wait3A_145, %dma_wait3A_146] : memref<72x768xf32, #tpu.memory_space<vmem>> -> memref<64x768xf32, #tpu.memory_space<vmem>>
      %dma_wait3A_148 = arith.constant 960 : i32
      %dma_wait3A_149 = arith.constant 0 : i32
      %dma_wait3A_150 = tpu.memref_slice %arg4[%add3A_4, %dma_wait3A_148, %dma_wait3A_149] : memref<64x1025x768xf32, #tpu.memory_space<hbm>> -> memref<1x64x768xf32, #tpu.memory_space<hbm>>
      %dma_wait3A_151 = tpu.memref_squeeze %dma_wait3A_150 : memref<1x64x768xf32, #tpu.memory_space<hbm>> -> memref<64x768xf32, #tpu.memory_space<hbm>>
      %dma_wait3A_152 = arith.constant 960 : i32
      %dma_wait3A_153 = arith.constant 0 : i32
      %dma_wait3A_154 = tpu.memref_slice %arg4[%add3A_4, %dma_wait3A_152, %dma_wait3A_153] : memref<64x1025x768xf32, #tpu.memory_space<hbm>> -> memref<1x64x768xf32, #tpu.memory_space<hbm>>
      %dma_wait3A_155 = tpu.memref_squeeze %dma_wait3A_154 : memref<1x64x768xf32, #tpu.memory_space<hbm>> -> memref<64x768xf32, #tpu.memory_space<hbm>>
      %dma_wait3A_156 = arith.constant 0 : i32
      %dma_wait3A_157 = arith.constant 0 : i32
      %dma_wait3A_158 = tpu.memref_slice %arg8[%dma_wait3A_156, %dma_wait3A_157] : memref<72x768xf32, #tpu.memory_space<vmem>> -> memref<64x768xf32, #tpu.memory_space<vmem>>
      tpu.wait_dma2 semaphore(%run_scoped3A : memref<!tpu.dma_semaphore, #tpu.memory_space<semaphore_mem>>) src(%dma_wait3A_158 : memref<64x768xf32, #tpu.memory_space<vmem>>) dst(%dma_wait3A_155 : memref<64x768xf32, #tpu.memory_space<hbm>>)
      tpu.yield
    }) : () -> ()
    %scan3A_57 = arith.constant 0 : i32
    %scan3A_58 = arith.constant 0 : i32
    %scan3A_59 = arith.constant 48 : i32
    %scan3A_60 = arith.addi %scan3A_58, %scan3A_59 : i32
    %scan3A_61 = arith.constant 1 : i32
    scf.for %scan3A_131 = %scan3A_58 to %scan3A_60 step %scan3A_61  : i32 {
      %mul3A_132 = arith.constant 16 : i32
      %mul3A_133 = arith.muli %scan3A_131, %mul3A_132 : i32
      %get3A = arith.constant 64 : i32
      %get3A_134 = arith.index_cast %get3A : i32 to index
      %get3A_135 = arith.index_cast %mul3A_133 : i32 to index
      %get3A_136 = tpu.vector_load %arg8[%get3A_134, %get3A_135] {strides = array<i32>} : memref<72x768xf32, #tpu.memory_space<vmem>>, vector<16xf32>,
      %mul3A_137 = arith.constant 16 : i32
      %mul3A_138 = arith.muli %scan3A_131, %mul3A_137 : i32
      %swap3A_139 = arith.constant 0 : i32
      %swap3A_140 = arith.index_cast %swap3A_139 : i32 to index
      %swap3A_141 = arith.index_cast %mul3A_138 : i32 to index
      %swap3A_142 = tpu.vector_load %arg9[%swap3A_140, %swap3A_141] {strides = array<i32>} : memref<1x768xf32, #tpu.memory_space<vmem>>, vector<16xf32>,
      tpu.vector_store %arg9[%swap3A_140, %swap3A_141], %get3A_136 {strides = array<i32>} : memref<1x768xf32, #tpu.memory_space<vmem>>, vector<16xf32>,
    }
    %scan3A_62 = arith.constant 48 : i32
    "tpu.region"() ({
      %run_scoped3A = tpu.sem_alloc : memref<!tpu.dma_semaphore, #tpu.memory_space<semaphore_mem>>
      %dma_start3A_131 = arith.constant 1024 : i32
      %dma_start3A_132 = arith.constant 0 : i32
      %dma_start3A_133 = tpu.memref_slice %arg4[%add3A_4, %dma_start3A_131, %dma_start3A_132] : memref<64x1025x768xf32, #tpu.memory_space<hbm>> -> memref<1x1x768xf32, #tpu.memory_space<hbm>>
      %dma_start3A_134 = tpu.memref_squeeze %dma_start3A_133 : memref<1x1x768xf32, #tpu.memory_space<hbm>> -> memref<1x768xf32, #tpu.memory_space<hbm>>
      %dma_start3A_135 = arith.constant 1024 : i32
      %dma_start3A_136 = arith.constant 0 : i32
      %dma_start3A_137 = tpu.memref_slice %arg4[%add3A_4, %dma_start3A_135, %dma_start3A_136] : memref<64x1025x768xf32, #tpu.memory_space<hbm>> -> memref<1x1x768xf32, #tpu.memory_space<hbm>>
      %dma_start3A_138 = tpu.memref_squeeze %dma_start3A_137 : memref<1x1x768xf32, #tpu.memory_space<hbm>> -> memref<1x768xf32, #tpu.memory_space<hbm>>
      tpu.enqueue_dma source(%arg9 : memref<1x768xf32, #tpu.memory_space<vmem>>) target(%dma_start3A_138 : memref<1x768xf32, #tpu.memory_space<hbm>>) target_semaphore(%run_scoped3A : memref<!tpu.dma_semaphore, #tpu.memory_space<semaphore_mem>>)
      %dma_wait3A_139 = arith.constant 1024 : i32
      %dma_wait3A_140 = arith.constant 0 : i32
      %dma_wait3A_141 = tpu.memref_slice %arg4[%add3A_4, %dma_wait3A_139, %dma_wait3A_140] : memref<64x1025x768xf32, #tpu.memory_space<hbm>> -> memref<1x1x768xf32, #tpu.memory_space<hbm>>
      %dma_wait3A_142 = tpu.memref_squeeze %dma_wait3A_141 : memref<1x1x768xf32, #tpu.memory_space<hbm>> -> memref<1x768xf32, #tpu.memory_space<hbm>>
      %dma_wait3A_143 = arith.constant 1024 : i32
      %dma_wait3A_144 = arith.constant 0 : i32
      %dma_wait3A_145 = tpu.memref_slice %arg4[%add3A_4, %dma_wait3A_143, %dma_wait3A_144] : memref<64x1025x768xf32, #tpu.memory_space<hbm>> -> memref<1x1x768xf32, #tpu.memory_space<hbm>>
      %dma_wait3A_146 = tpu.memref_squeeze %dma_wait3A_145 : memref<1x1x768xf32, #tpu.memory_space<hbm>> -> memref<1x768xf32, #tpu.memory_space<hbm>>
      tpu.wait_dma2 semaphore(%run_scoped3A : memref<!tpu.dma_semaphore, #tpu.memory_space<semaphore_mem>>) src(%arg9 : memref<1x768xf32, #tpu.memory_space<vmem>>) dst(%dma_wait3A_146 : memref<1x768xf32, #tpu.memory_space<hbm>>)
      tpu.yield
    }) : () -> ()
    %mul3A_63 = arith.constant 2 : i32
    %mul3A_64 = arith.muli %add3A, %mul3A_63 : i32
    %add3A_65 = arith.constant 1 : i32
    %add3A_66 = arith.addi %mul3A_64, %add3A_65 : i32
    "tpu.region"() ({
      %run_scoped3A = tpu.sem_alloc : memref<!tpu.dma_semaphore, #tpu.memory_space<semaphore_mem>>
      %dma_start3A_131 = arith.constant 0 : i32
      %dma_start3A_132 = tpu.memref_slice %arg2[%add3A_66, %dma_start3A_131] : memref<64x2048xi32, #tpu.memory_space<hbm>> -> memref<1x2048xi32, #tpu.memory_space<hbm>>
      %dma_start3A_133 = tpu.memref_squeeze %dma_start3A_132 : memref<1x2048xi32, #tpu.memory_space<hbm>> -> memref<2048xi32, #tpu.memory_space<hbm>>
      %dma_start3A_134 = arith.constant 0 : i32
      %dma_start3A_135 = tpu.memref_slice %arg2[%add3A_66, %dma_start3A_134] : memref<64x2048xi32, #tpu.memory_space<hbm>> -> memref<1x2048xi32, #tpu.memory_space<hbm>>
      %dma_start3A_136 = tpu.memref_squeeze %dma_start3A_135 : memref<1x2048xi32, #tpu.memory_space<hbm>> -> memref<2048xi32, #tpu.memory_space<hbm>>
      tpu.enqueue_dma source(%dma_start3A_136 : memref<2048xi32, #tpu.memory_space<hbm>>) target(%arg5 : memref<2048xi32, #tpu.memory_space<vmem>>) target_semaphore(%run_scoped3A : memref<!tpu.dma_semaphore, #tpu.memory_space<semaphore_mem>>)
      %dma_wait3A_137 = arith.constant 0 : i32
      %dma_wait3A_138 = tpu.memref_slice %arg2[%add3A_66, %dma_wait3A_137] : memref<64x2048xi32, #tpu.memory_space<hbm>> -> memref<1x2048xi32, #tpu.memory_space<hbm>>
      %dma_wait3A_139 = tpu.memref_squeeze %dma_wait3A_138 : memref<1x2048xi32, #tpu.memory_space<hbm>> -> memref<2048xi32, #tpu.memory_space<hbm>>
      %dma_wait3A_140 = arith.constant 0 : i32
      %dma_wait3A_141 = tpu.memref_slice %arg2[%add3A_66, %dma_wait3A_140] : memref<64x2048xi32, #tpu.memory_space<hbm>> -> memref<1x2048xi32, #tpu.memory_space<hbm>>
      %dma_wait3A_142 = tpu.memref_squeeze %dma_wait3A_141 : memref<1x2048xi32, #tpu.memory_space<hbm>> -> memref<2048xi32, #tpu.memory_space<hbm>>
      tpu.wait_dma2 semaphore(%run_scoped3A : memref<!tpu.dma_semaphore, #tpu.memory_space<semaphore_mem>>) src(%dma_wait3A_142 : memref<2048xi32, #tpu.memory_space<hbm>>) dst(%arg5 : memref<2048xi32, #tpu.memory_space<vmem>>)
      tpu.yield
    }) : () -> ()
    %broadcast_in_dim3A_67 = arith.constant 0 : i32
    %broadcast_in_dim3A_68 = vector.broadcast %broadcast_in_dim3A_67 : i32 to vector<16xi32>
    %swap3A_69 = arith.constant 0 : index
    %swap3A_70 = tpu.vector_load %arg6[%swap3A_69] {strides = array<i32>} : memref<1152xi32, #tpu.memory_space<vmem>>, vector<16xi32>,
    tpu.vector_store %arg6[%swap3A_69], %broadcast_in_dim3A_68 {strides = array<i32>} : memref<1152xi32, #tpu.memory_space<vmem>>, vector<16xi32>,
    %scan3A_71 = arith.constant 0 : i32
    %scan3A_72 = arith.constant 0 : i32
    %scan3A_73 = arith.constant 64 : i32
    %scan3A_74 = arith.addi %scan3A_72, %scan3A_73 : i32
    %scan3A_75 = arith.constant 1 : i32
    scf.for %scan3A_131 = %scan3A_72 to %scan3A_74 step %scan3A_75  : i32 {
      %iota3A = tpu.iota {dimensions = array<i32: 0>} : vector<16xi32>
      %mul3A_132 = arith.constant 2 : i32
      %mul3A_133 = vector.broadcast %mul3A_132 : i32 to vector<16xi32>
      %mul3A_134 = arith.muli %iota3A, %mul3A_133 : vector<16xi32>
      %mul3A_135 = arith.constant 32 : i32
      %mul3A_136 = arith.muli %scan3A_131, %mul3A_135 : i32
      %add3A_137 = vector.broadcast %mul3A_136 : i32 to vector<16xi32>
      %add3A_138 = arith.addi %mul3A_134, %add3A_137 : vector<16xi32>
      %gather3A_139 = tpu.vector_load_idx %arg5[%add3A_138] : memref<2048xi32, #tpu.memory_space<vmem>>[vector<16xi32>], vector<16xi32>,
      %add3A_140 = arith.constant 1 : i32
      %add3A_141 = vector.broadcast %add3A_140 : i32 to vector<16xi32>
      %add3A_142 = arith.addi %add3A_138, %add3A_141 : vector<16xi32>
      %gather3A_143 = tpu.vector_load_idx %arg5[%add3A_142] : memref<2048xi32, #tpu.memory_space<vmem>>[vector<16xi32>], vector<16xi32>,
      %mul3A_144 = arith.constant 16 : i32
      %mul3A_145 = arith.muli %scan3A_131, %mul3A_144 : i32
      %add3A_146 = arith.constant 1 : i32
      %add3A_147 = arith.addi %add3A_146, %mul3A_145 : i32
      %add3A_148 = vector.broadcast %add3A_147 : i32 to vector<16xi32>
      %add3A_149 = arith.addi %iota3A, %add3A_148 : vector<16xi32>
      %mul3A_150 = arith.constant 32 : i32
      %mul3A_151 = vector.broadcast %mul3A_150 : i32 to vector<16xi32>
      %mul3A_152 = arith.muli %gather3A_139, %mul3A_151 : vector<16xi32>
      %add3A_153 = arith.addi %mul3A_152, %gather3A_143 : vector<16xi32>
      %add3A_154 = arith.constant 1 : i32
      %add3A_155 = vector.broadcast %add3A_154 : i32 to vector<16xi32>
      %add3A_156 = arith.addi %add3A_153, %add3A_155 : vector<16xi32>
      tpu.vector_store_idx %arg6[%add3A_149], %add3A_156 : memref<1152xi32, #tpu.memory_space<vmem>>[vector<16xi32>], vector<16xi32>,
    }
    %scan3A_76 = arith.constant 64 : i32
    %broadcast_in_dim3A_77 = arith.constant 2046 : i32
    %broadcast_in_dim3A_78 = vector.broadcast %broadcast_in_dim3A_77 : i32 to vector<16xi32>
    %gather3A_79 = tpu.vector_load_idx %arg5[%broadcast_in_dim3A_78] : memref<2048xi32, #tpu.memory_space<vmem>>[vector<16xi32>], vector<16xi32>,
    %add3A_80 = arith.constant 1 : i32
    %add3A_81 = vector.broadcast %add3A_80 : i32 to vector<16xi32>
    %add3A_82 = arith.addi %broadcast_in_dim3A_78, %add3A_81 : vector<16xi32>
    %gather3A_83 = tpu.vector_load_idx %arg5[%add3A_82] : memref<2048xi32, #tpu.memory_space<vmem>>[vector<16xi32>], vector<16xi32>,
    %mul3A_84 = arith.constant 32 : i32
    %mul3A_85 = vector.broadcast %mul3A_84 : i32 to vector<16xi32>
    %mul3A_86 = arith.muli %gather3A_79, %mul3A_85 : vector<16xi32>
    %add3A_87 = arith.addi %mul3A_86, %gather3A_83 : vector<16xi32>
    %add3A_88 = arith.constant 1 : i32
    %add3A_89 = vector.broadcast %add3A_88 : i32 to vector<16xi32>
    %add3A_90 = arith.addi %add3A_87, %add3A_89 : vector<16xi32>
    %swap3A_91 = arith.constant 1024 : index
    %swap3A_92 = tpu.vector_load %arg6[%swap3A_91] {strides = array<i32>} : memref<1152xi32, #tpu.memory_space<vmem>>, vector<16xi32>,
    tpu.vector_store %arg6[%swap3A_91], %add3A_90 {strides = array<i32>} : memref<1152xi32, #tpu.memory_space<vmem>>, vector<16xi32>,
    %dma_start3A_93 = arith.constant 0 : i32
    %dma_start3A_94 = arith.constant 0 : i32
    %dma_start3A_95 = tpu.memref_slice %arg7[%dma_start3A_93, %dma_start3A_94] : memref<72x768xf32, #tpu.memory_space<vmem>> -> memref<64x768xf32, #tpu.memory_space<vmem>>
    %dma_start3A_96 = arith.constant 0 : i32
    %dma_start3A_97 = tpu.memref_slice %arg6[%dma_start3A_96] : memref<1152xi32, #tpu.memory_space<vmem>> -> memref<64xi32, #tpu.memory_space<vmem>>
    %dma_start3A_98 = arith.constant 0 : i32
    %dma_start3A_99 = arith.constant 0 : i32
    %dma_start3A_100 = tpu.memref_slice %arg3[%dma_start3A_98, %dma_start3A_99] : memref<1025x768xf32, #tpu.memory_space<hbm>> -> memref<1025x768xf32, #tpu.memory_space<hbm>>
    tpu.enqueue_indirect_dma source(%dma_start3A_100 : memref<1025x768xf32, #tpu.memory_space<hbm>>) target(%dma_start3A_95 : memref<64x768xf32, #tpu.memory_space<vmem>>) offsets(%dma_start3A_97 : memref<64xi32, #tpu.memory_space<vmem>>) semaphore(%arg10 : memref<!tpu.dma_semaphore, #tpu.memory_space<semaphore_mem>>)
    %scan3A_101 = arith.constant 0 : i32
    %scan3A_102 = arith.constant 0 : i32
    %scan3A_103 = arith.constant 7 : i32
    %scan3A_104 = arith.addi %scan3A_102, %scan3A_103 : i32
    %scan3A_105 = arith.constant 1 : i32
    scf.for %scan3A_131 = %scan3A_102 to %scan3A_104 step %scan3A_105  : i32 {
      %mul3A_132 = arith.constant 2 : i32
      %mul3A_133 = arith.muli %scan3A_131, %mul3A_132 : i32
      %add3A_134 = arith.constant 1 : i32
      %add3A_135 = arith.addi %mul3A_133, %add3A_134 : i32
      %mul3A_136 = arith.constant 64 : i32
      %mul3A_137 = arith.muli %add3A_135, %mul3A_136 : i32
      %dma_start3A_138 = arith.constant 0 : i32
      %dma_start3A_139 = arith.constant 0 : i32
      %dma_start3A_140 = tpu.memref_slice %arg8[%dma_start3A_138, %dma_start3A_139] : memref<72x768xf32, #tpu.memory_space<vmem>> -> memref<64x768xf32, #tpu.memory_space<vmem>>
      %dma_start3A_141 = tpu.memref_slice %arg6[%mul3A_137] : memref<1152xi32, #tpu.memory_space<vmem>> -> memref<64xi32, #tpu.memory_space<vmem>>
      %dma_start3A_142 = arith.constant 0 : i32
      %dma_start3A_143 = arith.constant 0 : i32
      %dma_start3A_144 = tpu.memref_slice %arg3[%dma_start3A_142, %dma_start3A_143] : memref<1025x768xf32, #tpu.memory_space<hbm>> -> memref<1025x768xf32, #tpu.memory_space<hbm>>
      tpu.enqueue_indirect_dma source(%dma_start3A_144 : memref<1025x768xf32, #tpu.memory_space<hbm>>) target(%dma_start3A_140 : memref<64x768xf32, #tpu.memory_space<vmem>>) offsets(%dma_start3A_141 : memref<64xi32, #tpu.memory_space<vmem>>) semaphore(%arg11 : memref<!tpu.dma_semaphore, #tpu.memory_space<semaphore_mem>>)
      %dma_wait3A_145 = arith.constant 0 : i32
      %dma_wait3A_146 = arith.constant 0 : i32
      %dma_wait3A_147 = tpu.memref_slice %arg7[%dma_wait3A_145, %dma_wait3A_146] : memref<72x768xf32, #tpu.memory_space<vmem>> -> memref<64x768xf32, #tpu.memory_space<vmem>>
      %dma_wait3A_148 = arith.constant 0 : i32
      %dma_wait3A_149 = tpu.memref_slice %arg6[%dma_wait3A_148] : memref<1152xi32, #tpu.memory_space<vmem>> -> memref<64xi32, #tpu.memory_space<vmem>>
      %dma_wait3A_150 = arith.constant 0 : i32
      %dma_wait3A_151 = arith.constant 0 : i32
      %dma_wait3A_152 = tpu.memref_slice %arg3[%dma_wait3A_150, %dma_wait3A_151] : memref<1025x768xf32, #tpu.memory_space<hbm>> -> memref<1025x768xf32, #tpu.memory_space<hbm>>
      tpu.wait_indirect_dma semaphore(%arg10 : memref<!tpu.dma_semaphore, #tpu.memory_space<semaphore_mem>>) src(%dma_wait3A_152 : memref<1025x768xf32, #tpu.memory_space<hbm>>) dst(%dma_wait3A_147 : memref<64x768xf32, #tpu.memory_space<vmem>>)
      %mul3A_153 = arith.constant 64 : i32
      %mul3A_154 = arith.muli %mul3A_133, %mul3A_153 : i32
      "tpu.region"() ({
        %run_scoped3A = tpu.sem_alloc : memref<!tpu.dma_semaphore, #tpu.memory_space<semaphore_mem>>
        %dma_start3A_178 = arith.constant 0 : i32
        %dma_start3A_179 = arith.constant 0 : i32
        %dma_start3A_180 = tpu.memref_slice %arg7[%dma_start3A_178, %dma_start3A_179] : memref<72x768xf32, #tpu.memory_space<vmem>> -> memref<64x768xf32, #tpu.memory_space<vmem>>
        %dma_start3A_181 = arith.constant 0 : i32
        %dma_start3A_182 = tpu.memref_slice %arg4[%add3A_66, %mul3A_154, %dma_start3A_181] : memref<64x1025x768xf32, #tpu.memory_space<hbm>> -> memref<1x64x768xf32, #tpu.memory_space<hbm>>
        %dma_start3A_183 = tpu.memref_squeeze %dma_start3A_182 : memref<1x64x768xf32, #tpu.memory_space<hbm>> -> memref<64x768xf32, #tpu.memory_space<hbm>>
        %dma_start3A_184 = arith.constant 0 : i32
        %dma_start3A_185 = tpu.memref_slice %arg4[%add3A_66, %mul3A_154, %dma_start3A_184] : memref<64x1025x768xf32, #tpu.memory_space<hbm>> -> memref<1x64x768xf32, #tpu.memory_space<hbm>>
        %dma_start3A_186 = tpu.memref_squeeze %dma_start3A_185 : memref<1x64x768xf32, #tpu.memory_space<hbm>> -> memref<64x768xf32, #tpu.memory_space<hbm>>
        %dma_start3A_187 = arith.constant 0 : i32
        %dma_start3A_188 = arith.constant 0 : i32
        %dma_start3A_189 = tpu.memref_slice %arg7[%dma_start3A_187, %dma_start3A_188] : memref<72x768xf32, #tpu.memory_space<vmem>> -> memref<64x768xf32, #tpu.memory_space<vmem>>
        tpu.enqueue_dma source(%dma_start3A_189 : memref<64x768xf32, #tpu.memory_space<vmem>>) target(%dma_start3A_186 : memref<64x768xf32, #tpu.memory_space<hbm>>) target_semaphore(%run_scoped3A : memref<!tpu.dma_semaphore, #tpu.memory_space<semaphore_mem>>)
        %dma_wait3A_190 = arith.constant 0 : i32
        %dma_wait3A_191 = arith.constant 0 : i32
        %dma_wait3A_192 = tpu.memref_slice %arg7[%dma_wait3A_190, %dma_wait3A_191] : memref<72x768xf32, #tpu.memory_space<vmem>> -> memref<64x768xf32, #tpu.memory_space<vmem>>
        %dma_wait3A_193 = arith.constant 0 : i32
        %dma_wait3A_194 = tpu.memref_slice %arg4[%add3A_66, %mul3A_154, %dma_wait3A_193] : memref<64x1025x768xf32, #tpu.memory_space<hbm>> -> memref<1x64x768xf32, #tpu.memory_space<hbm>>
        %dma_wait3A_195 = tpu.memref_squeeze %dma_wait3A_194 : memref<1x64x768xf32, #tpu.memory_space<hbm>> -> memref<64x768xf32, #tpu.memory_space<hbm>>
        %dma_wait3A_196 = arith.constant 0 : i32
        %dma_wait3A_197 = tpu.memref_slice %arg4[%add3A_66, %mul3A_154, %dma_wait3A_196] : memref<64x1025x768xf32, #tpu.memory_space<hbm>> -> memref<1x64x768xf32, #tpu.memory_space<hbm>>
        %dma_wait3A_198 = tpu.memref_squeeze %dma_wait3A_197 : memref<1x64x768xf32, #tpu.memory_space<hbm>> -> memref<64x768xf32, #tpu.memory_space<hbm>>
        %dma_wait3A_199 = arith.constant 0 : i32
        %dma_wait3A_200 = arith.constant 0 : i32
        %dma_wait3A_201 = tpu.memref_slice %arg7[%dma_wait3A_199, %dma_wait3A_200] : memref<72x768xf32, #tpu.memory_space<vmem>> -> memref<64x768xf32, #tpu.memory_space<vmem>>
        tpu.wait_dma2 semaphore(%run_scoped3A : memref<!tpu.dma_semaphore, #tpu.memory_space<semaphore_mem>>) src(%dma_wait3A_201 : memref<64x768xf32, #tpu.memory_space<vmem>>) dst(%dma_wait3A_198 : memref<64x768xf32, #tpu.memory_space<hbm>>)
        tpu.yield
      }) : () -> ()
      %add3A_155 = arith.constant 2 : i32
      %add3A_156 = arith.addi %mul3A_133, %add3A_155 : i32
      %mul3A_157 = arith.constant 64 : i32
      %mul3A_158 = arith.muli %add3A_156, %mul3A_157 : i32
      %dma_start3A_159 = arith.constant 0 : i32
      %dma_start3A_160 = arith.constant 0 : i32
      %dma_start3A_161 = tpu.memref_slice %arg7[%dma_start3A_159, %dma_start3A_160] : memref<72x768xf32, #tpu.memory_space<vmem>> -> memref<64x768xf32, #tpu.memory_space<vmem>>
      %dma_start3A_162 = tpu.memref_slice %arg6[%mul3A_158] : memref<1152xi32, #tpu.memory_space<vmem>> -> memref<64xi32, #tpu.memory_space<vmem>>
      %dma_start3A_163 = arith.constant 0 : i32
      %dma_start3A_164 = arith.constant 0 : i32
      %dma_start3A_165 = tpu.memref_slice %arg3[%dma_start3A_163, %dma_start3A_164] : memref<1025x768xf32, #tpu.memory_space<hbm>> -> memref<1025x768xf32, #tpu.memory_space<hbm>>
      tpu.enqueue_indirect_dma source(%dma_start3A_165 : memref<1025x768xf32, #tpu.memory_space<hbm>>) target(%dma_start3A_161 : memref<64x768xf32, #tpu.memory_space<vmem>>) offsets(%dma_start3A_162 : memref<64xi32, #tpu.memory_space<vmem>>) semaphore(%arg10 : memref<!tpu.dma_semaphore, #tpu.memory_space<semaphore_mem>>)
      %dma_wait3A_166 = arith.constant 0 : i32
      %dma_wait3A_167 = arith.constant 0 : i32
      %dma_wait3A_168 = tpu.memref_slice %arg8[%dma_wait3A_166, %dma_wait3A_167] : memref<72x768xf32, #tpu.memory_space<vmem>> -> memref<64x768xf32, #tpu.memory_space<vmem>>
      %dma_wait3A_169 = arith.constant 0 : i32
      %dma_wait3A_170 = tpu.memref_slice %arg6[%dma_wait3A_169] : memref<1152xi32, #tpu.memory_space<vmem>> -> memref<64xi32, #tpu.memory_space<vmem>>
      %dma_wait3A_171 = arith.constant 0 : i32
      %dma_wait3A_172 = arith.constant 0 : i32
      %dma_wait3A_173 = tpu.memref_slice %arg3[%dma_wait3A_171, %dma_wait3A_172] : memref<1025x768xf32, #tpu.memory_space<hbm>> -> memref<1025x768xf32, #tpu.memory_space<hbm>>
      tpu.wait_indirect_dma semaphore(%arg11 : memref<!tpu.dma_semaphore, #tpu.memory_space<semaphore_mem>>) src(%dma_wait3A_173 : memref<1025x768xf32, #tpu.memory_space<hbm>>) dst(%dma_wait3A_168 : memref<64x768xf32, #tpu.memory_space<vmem>>)
      %add3A_174 = arith.constant 1 : i32
      %add3A_175 = arith.addi %mul3A_133, %add3A_174 : i32
      %mul3A_176 = arith.constant 64 : i32
      %mul3A_177 = arith.muli %add3A_175, %mul3A_176 : i32
      "tpu.region"() ({
        %run_scoped3A = tpu.sem_alloc : memref<!tpu.dma_semaphore, #tpu.memory_space<semaphore_mem>>
        %dma_start3A_178 = arith.constant 0 : i32
        %dma_start3A_179 = arith.constant 0 : i32
        %dma_start3A_180 = tpu.memref_slice %arg8[%dma_start3A_178, %dma_start3A_179] : memref<72x768xf32, #tpu.memory_space<vmem>> -> memref<64x768xf32, #tpu.memory_space<vmem>>
        %dma_start3A_181 = arith.constant 0 : i32
        %dma_start3A_182 = tpu.memref_slice %arg4[%add3A_66, %mul3A_177, %dma_start3A_181] : memref<64x1025x768xf32, #tpu.memory_space<hbm>> -> memref<1x64x768xf32, #tpu.memory_space<hbm>>
        %dma_start3A_183 = tpu.memref_squeeze %dma_start3A_182 : memref<1x64x768xf32, #tpu.memory_space<hbm>> -> memref<64x768xf32, #tpu.memory_space<hbm>>
        %dma_start3A_184 = arith.constant 0 : i32
        %dma_start3A_185 = tpu.memref_slice %arg4[%add3A_66, %mul3A_177, %dma_start3A_184] : memref<64x1025x768xf32, #tpu.memory_space<hbm>> -> memref<1x64x768xf32, #tpu.memory_space<hbm>>
        %dma_start3A_186 = tpu.memref_squeeze %dma_start3A_185 : memref<1x64x768xf32, #tpu.memory_space<hbm>> -> memref<64x768xf32, #tpu.memory_space<hbm>>
        %dma_start3A_187 = arith.constant 0 : i32
        %dma_start3A_188 = arith.constant 0 : i32
        %dma_start3A_189 = tpu.memref_slice %arg8[%dma_start3A_187, %dma_start3A_188] : memref<72x768xf32, #tpu.memory_space<vmem>> -> memref<64x768xf32, #tpu.memory_space<vmem>>
        tpu.enqueue_dma source(%dma_start3A_189 : memref<64x768xf32, #tpu.memory_space<vmem>>) target(%dma_start3A_186 : memref<64x768xf32, #tpu.memory_space<hbm>>) target_semaphore(%run_scoped3A : memref<!tpu.dma_semaphore, #tpu.memory_space<semaphore_mem>>)
        %dma_wait3A_190 = arith.constant 0 : i32
        %dma_wait3A_191 = arith.constant 0 : i32
        %dma_wait3A_192 = tpu.memref_slice %arg8[%dma_wait3A_190, %dma_wait3A_191] : memref<72x768xf32, #tpu.memory_space<vmem>> -> memref<64x768xf32, #tpu.memory_space<vmem>>
        %dma_wait3A_193 = arith.constant 0 : i32
        %dma_wait3A_194 = tpu.memref_slice %arg4[%add3A_66, %mul3A_177, %dma_wait3A_193] : memref<64x1025x768xf32, #tpu.memory_space<hbm>> -> memref<1x64x768xf32, #tpu.memory_space<hbm>>
        %dma_wait3A_195 = tpu.memref_squeeze %dma_wait3A_194 : memref<1x64x768xf32, #tpu.memory_space<hbm>> -> memref<64x768xf32, #tpu.memory_space<hbm>>
        %dma_wait3A_196 = arith.constant 0 : i32
        %dma_wait3A_197 = tpu.memref_slice %arg4[%add3A_66, %mul3A_177, %dma_wait3A_196] : memref<64x1025x768xf32, #tpu.memory_space<hbm>> -> memref<1x64x768xf32, #tpu.memory_space<hbm>>
        %dma_wait3A_198 = tpu.memref_squeeze %dma_wait3A_197 : memref<1x64x768xf32, #tpu.memory_space<hbm>> -> memref<64x768xf32, #tpu.memory_space<hbm>>
        %dma_wait3A_199 = arith.constant 0 : i32
        %dma_wait3A_200 = arith.constant 0 : i32
        %dma_wait3A_201 = tpu.memref_slice %arg8[%dma_wait3A_199, %dma_wait3A_200] : memref<72x768xf32, #tpu.memory_space<vmem>> -> memref<64x768xf32, #tpu.memory_space<vmem>>
        tpu.wait_dma2 semaphore(%run_scoped3A : memref<!tpu.dma_semaphore, #tpu.memory_space<semaphore_mem>>) src(%dma_wait3A_201 : memref<64x768xf32, #tpu.memory_space<vmem>>) dst(%dma_wait3A_198 : memref<64x768xf32, #tpu.memory_space<hbm>>)
        tpu.yield
      }) : () -> ()
    }
    %scan3A_106 = arith.constant 7 : i32
    %dma_start3A_107 = arith.constant 960 : i32
    %dma_start3A_108 = tpu.memref_slice %arg6[%dma_start3A_107] : memref<1152xi32, #tpu.memory_space<vmem>> -> memref<72xi32, #tpu.memory_space<vmem>>
    %dma_start3A_109 = arith.constant 0 : i32
    %dma_start3A_110 = arith.constant 0 : i32
    %dma_start3A_111 = tpu.memref_slice %arg3[%dma_start3A_109, %dma_start3A_110] : memref<1025x768xf32, #tpu.memory_space<hbm>> -> memref<1025x768xf32, #tpu.memory_space<hbm>>
    tpu.enqueue_indirect_dma source(%dma_start3A_111 : memref<1025x768xf32, #tpu.memory_space<hbm>>) target(%arg8 : memref<72x768xf32, #tpu.memory_space<vmem>>) offsets(%dma_start3A_108 : memref<72xi32, #tpu.memory_space<vmem>>) semaphore(%arg11 : memref<!tpu.dma_semaphore, #tpu.memory_space<semaphore_mem>>)
    %dma_wait3A_112 = arith.constant 0 : i32
    %dma_wait3A_113 = arith.constant 0 : i32
    %dma_wait3A_114 = tpu.memref_slice %arg7[%dma_wait3A_112, %dma_wait3A_113] : memref<72x768xf32, #tpu.memory_space<vmem>> -> memref<64x768xf32, #tpu.memory_space<vmem>>
    %dma_wait3A_115 = arith.constant 0 : i32
    %dma_wait3A_116 = tpu.memref_slice %arg6[%dma_wait3A_115] : memref<1152xi32, #tpu.memory_space<vmem>> -> memref<64xi32, #tpu.memory_space<vmem>>
    %dma_wait3A_117 = arith.constant 0 : i32
    %dma_wait3A_118 = arith.constant 0 : i32
    %dma_wait3A_119 = tpu.memref_slice %arg3[%dma_wait3A_117, %dma_wait3A_118] : memref<1025x768xf32, #tpu.memory_space<hbm>> -> memref<1025x768xf32, #tpu.memory_space<hbm>>
    tpu.wait_indirect_dma semaphore(%arg10 : memref<!tpu.dma_semaphore, #tpu.memory_space<semaphore_mem>>) src(%dma_wait3A_119 : memref<1025x768xf32, #tpu.memory_space<hbm>>) dst(%dma_wait3A_114 : memref<64x768xf32, #tpu.memory_space<vmem>>)
    "tpu.region"() ({
      %run_scoped3A = tpu.sem_alloc : memref<!tpu.dma_semaphore, #tpu.memory_space<semaphore_mem>>
      %dma_start3A_131 = arith.constant 0 : i32
      %dma_start3A_132 = arith.constant 0 : i32
      %dma_start3A_133 = tpu.memref_slice %arg7[%dma_start3A_131, %dma_start3A_132] : memref<72x768xf32, #tpu.memory_space<vmem>> -> memref<64x768xf32, #tpu.memory_space<vmem>>
      %dma_start3A_134 = arith.constant 896 : i32
      %dma_start3A_135 = arith.constant 0 : i32
      %dma_start3A_136 = tpu.memref_slice %arg4[%add3A_66, %dma_start3A_134, %dma_start3A_135] : memref<64x1025x768xf32, #tpu.memory_space<hbm>> -> memref<1x64x768xf32, #tpu.memory_space<hbm>>
      %dma_start3A_137 = tpu.memref_squeeze %dma_start3A_136 : memref<1x64x768xf32, #tpu.memory_space<hbm>> -> memref<64x768xf32, #tpu.memory_space<hbm>>
      %dma_start3A_138 = arith.constant 896 : i32
      %dma_start3A_139 = arith.constant 0 : i32
      %dma_start3A_140 = tpu.memref_slice %arg4[%add3A_66, %dma_start3A_138, %dma_start3A_139] : memref<64x1025x768xf32, #tpu.memory_space<hbm>> -> memref<1x64x768xf32, #tpu.memory_space<hbm>>
      %dma_start3A_141 = tpu.memref_squeeze %dma_start3A_140 : memref<1x64x768xf32, #tpu.memory_space<hbm>> -> memref<64x768xf32, #tpu.memory_space<hbm>>
      %dma_start3A_142 = arith.constant 0 : i32
      %dma_start3A_143 = arith.constant 0 : i32
      %dma_start3A_144 = tpu.memref_slice %arg7[%dma_start3A_142, %dma_start3A_143] : memref<72x768xf32, #tpu.memory_space<vmem>> -> memref<64x768xf32, #tpu.memory_space<vmem>>
      tpu.enqueue_dma source(%dma_start3A_144 : memref<64x768xf32, #tpu.memory_space<vmem>>) target(%dma_start3A_141 : memref<64x768xf32, #tpu.memory_space<hbm>>) target_semaphore(%run_scoped3A : memref<!tpu.dma_semaphore, #tpu.memory_space<semaphore_mem>>)
      %dma_wait3A_145 = arith.constant 0 : i32
      %dma_wait3A_146 = arith.constant 0 : i32
      %dma_wait3A_147 = tpu.memref_slice %arg7[%dma_wait3A_145, %dma_wait3A_146] : memref<72x768xf32, #tpu.memory_space<vmem>> -> memref<64x768xf32, #tpu.memory_space<vmem>>
      %dma_wait3A_148 = arith.constant 896 : i32
      %dma_wait3A_149 = arith.constant 0 : i32
      %dma_wait3A_150 = tpu.memref_slice %arg4[%add3A_66, %dma_wait3A_148, %dma_wait3A_149] : memref<64x1025x768xf32, #tpu.memory_space<hbm>> -> memref<1x64x768xf32, #tpu.memory_space<hbm>>
      %dma_wait3A_151 = tpu.memref_squeeze %dma_wait3A_150 : memref<1x64x768xf32, #tpu.memory_space<hbm>> -> memref<64x768xf32, #tpu.memory_space<hbm>>
      %dma_wait3A_152 = arith.constant 896 : i32
      %dma_wait3A_153 = arith.constant 0 : i32
      %dma_wait3A_154 = tpu.memref_slice %arg4[%add3A_66, %dma_wait3A_152, %dma_wait3A_153] : memref<64x1025x768xf32, #tpu.memory_space<hbm>> -> memref<1x64x768xf32, #tpu.memory_space<hbm>>
      %dma_wait3A_155 = tpu.memref_squeeze %dma_wait3A_154 : memref<1x64x768xf32, #tpu.memory_space<hbm>> -> memref<64x768xf32, #tpu.memory_space<hbm>>
      %dma_wait3A_156 = arith.constant 0 : i32
      %dma_wait3A_157 = arith.constant 0 : i32
      %dma_wait3A_158 = tpu.memref_slice %arg7[%dma_wait3A_156, %dma_wait3A_157] : memref<72x768xf32, #tpu.memory_space<vmem>> -> memref<64x768xf32, #tpu.memory_space<vmem>>
      tpu.wait_dma2 semaphore(%run_scoped3A : memref<!tpu.dma_semaphore, #tpu.memory_space<semaphore_mem>>) src(%dma_wait3A_158 : memref<64x768xf32, #tpu.memory_space<vmem>>) dst(%dma_wait3A_155 : memref<64x768xf32, #tpu.memory_space<hbm>>)
      tpu.yield
    }) : () -> ()
    %dma_wait3A_120 = arith.constant 960 : i32
    %dma_wait3A_121 = tpu.memref_slice %arg6[%dma_wait3A_120] : memref<1152xi32, #tpu.memory_space<vmem>> -> memref<72xi32, #tpu.memory_space<vmem>>
    %dma_wait3A_122 = arith.constant 0 : i32
    %dma_wait3A_123 = arith.constant 0 : i32
    %dma_wait3A_124 = tpu.memref_slice %arg3[%dma_wait3A_122, %dma_wait3A_123] : memref<1025x768xf32, #tpu.memory_space<hbm>> -> memref<1025x768xf32, #tpu.memory_space<hbm>>
    tpu.wait_indirect_dma semaphore(%arg11 : memref<!tpu.dma_semaphore, #tpu.memory_space<semaphore_mem>>) src(%dma_wait3A_124 : memref<1025x768xf32, #tpu.memory_space<hbm>>) dst(%arg8 : memref<72x768xf32, #tpu.memory_space<vmem>>)
    "tpu.region"() ({
      %run_scoped3A = tpu.sem_alloc : memref<!tpu.dma_semaphore, #tpu.memory_space<semaphore_mem>>
      %dma_start3A_131 = arith.constant 0 : i32
      %dma_start3A_132 = arith.constant 0 : i32
      %dma_start3A_133 = tpu.memref_slice %arg8[%dma_start3A_131, %dma_start3A_132] : memref<72x768xf32, #tpu.memory_space<vmem>> -> memref<64x768xf32, #tpu.memory_space<vmem>>
      %dma_start3A_134 = arith.constant 960 : i32
      %dma_start3A_135 = arith.constant 0 : i32
      %dma_start3A_136 = tpu.memref_slice %arg4[%add3A_66, %dma_start3A_134, %dma_start3A_135] : memref<64x1025x768xf32, #tpu.memory_space<hbm>> -> memref<1x64x768xf32, #tpu.memory_space<hbm>>
      %dma_start3A_137 = tpu.memref_squeeze %dma_start3A_136 : memref<1x64x768xf32, #tpu.memory_space<hbm>> -> memref<64x768xf32, #tpu.memory_space<hbm>>
      %dma_start3A_138 = arith.constant 960 : i32
      %dma_start3A_139 = arith.constant 0 : i32
      %dma_start3A_140 = tpu.memref_slice %arg4[%add3A_66, %dma_start3A_138, %dma_start3A_139] : memref<64x1025x768xf32, #tpu.memory_space<hbm>> -> memref<1x64x768xf32, #tpu.memory_space<hbm>>
      %dma_start3A_141 = tpu.memref_squeeze %dma_start3A_140 : memref<1x64x768xf32, #tpu.memory_space<hbm>> -> memref<64x768xf32, #tpu.memory_space<hbm>>
      %dma_start3A_142 = arith.constant 0 : i32
      %dma_start3A_143 = arith.constant 0 : i32
      %dma_start3A_144 = tpu.memref_slice %arg8[%dma_start3A_142, %dma_start3A_143] : memref<72x768xf32, #tpu.memory_space<vmem>> -> memref<64x768xf32, #tpu.memory_space<vmem>>
      tpu.enqueue_dma source(%dma_start3A_144 : memref<64x768xf32, #tpu.memory_space<vmem>>) target(%dma_start3A_141 : memref<64x768xf32, #tpu.memory_space<hbm>>) target_semaphore(%run_scoped3A : memref<!tpu.dma_semaphore, #tpu.memory_space<semaphore_mem>>)
      %dma_wait3A_145 = arith.constant 0 : i32
      %dma_wait3A_146 = arith.constant 0 : i32
      %dma_wait3A_147 = tpu.memref_slice %arg8[%dma_wait3A_145, %dma_wait3A_146] : memref<72x768xf32, #tpu.memory_space<vmem>> -> memref<64x768xf32, #tpu.memory_space<vmem>>
      %dma_wait3A_148 = arith.constant 960 : i32
      %dma_wait3A_149 = arith.constant 0 : i32
      %dma_wait3A_150 = tpu.memref_slice %arg4[%add3A_66, %dma_wait3A_148, %dma_wait3A_149] : memref<64x1025x768xf32, #tpu.memory_space<hbm>> -> memref<1x64x768xf32, #tpu.memory_space<hbm>>
      %dma_wait3A_151 = tpu.memref_squeeze %dma_wait3A_150 : memref<1x64x768xf32, #tpu.memory_space<hbm>> -> memref<64x768xf32, #tpu.memory_space<hbm>>
      %dma_wait3A_152 = arith.constant 960 : i32
      %dma_wait3A_153 = arith.constant 0 : i32
      %dma_wait3A_154 = tpu.memref_slice %arg4[%add3A_66, %dma_wait3A_152, %dma_wait3A_153] : memref<64x1025x768xf32, #tpu.memory_space<hbm>> -> memref<1x64x768xf32, #tpu.memory_space<hbm>>
      %dma_wait3A_155 = tpu.memref_squeeze %dma_wait3A_154 : memref<1x64x768xf32, #tpu.memory_space<hbm>> -> memref<64x768xf32, #tpu.memory_space<hbm>>
      %dma_wait3A_156 = arith.constant 0 : i32
      %dma_wait3A_157 = arith.constant 0 : i32
      %dma_wait3A_158 = tpu.memref_slice %arg8[%dma_wait3A_156, %dma_wait3A_157] : memref<72x768xf32, #tpu.memory_space<vmem>> -> memref<64x768xf32, #tpu.memory_space<vmem>>
      tpu.wait_dma2 semaphore(%run_scoped3A : memref<!tpu.dma_semaphore, #tpu.memory_space<semaphore_mem>>) src(%dma_wait3A_158 : memref<64x768xf32, #tpu.memory_space<vmem>>) dst(%dma_wait3A_155 : memref<64x768xf32, #tpu.memory_space<hbm>>)
      tpu.yield
    }) : () -> ()
    %scan3A_125 = arith.constant 0 : i32
    %scan3A_126 = arith.constant 0 : i32
    %scan3A_127 = arith.constant 48 : i32
    %scan3A_128 = arith.addi %scan3A_126, %scan3A_127 : i32
    %scan3A_129 = arith.constant 1 : i32
    scf.for %scan3A_131 = %scan3A_126 to %scan3A_128 step %scan3A_129  : i32 {
      %mul3A_132 = arith.constant 16 : i32
      %mul3A_133 = arith.muli %scan3A_131, %mul3A_132 : i32
      %get3A = arith.constant 64 : i32
      %get3A_134 = arith.index_cast %get3A : i32 to index
      %get3A_135 = arith.index_cast %mul3A_133 : i32 to index
      %get3A_136 = tpu.vector_load %arg8[%get3A_134, %get3A_135] {strides = array<i32>} : memref<72x768xf32, #tpu.memory_space<vmem>>, vector<16xf32>,
      %mul3A_137 = arith.constant 16 : i32
      %mul3A_138 = arith.muli %scan3A_131, %mul3A_137 : i32
      %swap3A_139 = arith.constant 0 : i32
      %swap3A_140 = arith.index_cast %swap3A_139 : i32 to index
      %swap3A_141 = arith.index_cast %mul3A_138 : i32 to index
      %swap3A_142 = tpu.vector_load %arg9[%swap3A_140, %swap3A_141] {strides = array<i32>} : memref<1x768xf32, #tpu.memory_space<vmem>>, vector<16xf32>,
      tpu.vector_store %arg9[%swap3A_140, %swap3A_141], %get3A_136 {strides = array<i32>} : memref<1x768xf32, #tpu.memory_space<vmem>>, vector<16xf32>,
    }
    %scan3A_130 = arith.constant 48 : i32
    "tpu.region"() ({
      %run_scoped3A = tpu.sem_alloc : memref<!tpu.dma_semaphore, #tpu.memory_space<semaphore_mem>>
      %dma_start3A_131 = arith.constant 1024 : i32
      %dma_start3A_132 = arith.constant 0 : i32
      %dma_start3A_133 = tpu.memref_slice %arg4[%add3A_66, %dma_start3A_131, %dma_start3A_132] : memref<64x1025x768xf32, #tpu.memory_space<hbm>> -> memref<1x1x768xf32, #tpu.memory_space<hbm>>
      %dma_start3A_134 = tpu.memref_squeeze %dma_start3A_133 : memref<1x1x768xf32, #tpu.memory_space<hbm>> -> memref<1x768xf32, #tpu.memory_space<hbm>>
      %dma_start3A_135 = arith.constant 1024 : i32
      %dma_start3A_136 = arith.constant 0 : i32
      %dma_start3A_137 = tpu.memref_slice %arg4[%add3A_66, %dma_start3A_135, %dma_start3A_136] : memref<64x1025x768xf32, #tpu.memory_space<hbm>> -> memref<1x1x768xf32, #tpu.memory_space<hbm>>
      %dma_start3A_138 = tpu.memref_squeeze %dma_start3A_137 : memref<1x1x768xf32, #tpu.memory_space<hbm>> -> memref<1x768xf32, #tpu.memory_space<hbm>>
      tpu.enqueue_dma source(%arg9 : memref<1x768xf32, #tpu.memory_space<vmem>>) target(%dma_start3A_138 : memref<1x768xf32, #tpu.memory_space<hbm>>) target_semaphore(%run_scoped3A : memref<!tpu.dma_semaphore, #tpu.memory_space<semaphore_mem>>)
      %dma_wait3A_139 = arith.constant 1024 : i32
      %dma_wait3A_140 = arith.constant 0 : i32
      %dma_wait3A_141 = tpu.memref_slice %arg4[%add3A_66, %dma_wait3A_139, %dma_wait3A_140] : memref<64x1025x768xf32, #tpu.memory_space<hbm>> -> memref<1x1x768xf32, #tpu.memory_space<hbm>>
      %dma_wait3A_142 = tpu.memref_squeeze %dma_wait3A_141 : memref<1x1x768xf32, #tpu.memory_space<hbm>> -> memref<1x768xf32, #tpu.memory_space<hbm>>
      %dma_wait3A_143 = arith.constant 1024 : i32
      %dma_wait3A_144 = arith.constant 0 : i32
      %dma_wait3A_145 = tpu.memref_slice %arg4[%add3A_66, %dma_wait3A_143, %dma_wait3A_144] : memref<64x1025x768xf32, #tpu.memory_space<hbm>> -> memref<1x1x768xf32, #tpu.memory_space<hbm>>
      %dma_wait3A_146 = tpu.memref_squeeze %dma_wait3A_145 : memref<1x1x768xf32, #tpu.memory_space<hbm>> -> memref<1x768xf32, #tpu.memory_space<hbm>>
      tpu.wait_dma2 semaphore(%run_scoped3A : memref<!tpu.dma_semaphore, #tpu.memory_space<semaphore_mem>>) src(%arg9 : memref<1x768xf32, #tpu.memory_space<vmem>>) dst(%dma_wait3A_146 : memref<1x768xf32, #tpu.memory_space<hbm>>)
      tpu.yield
    }) : () -> ()
    return
  }
}

</mosaic_0001>

<sc_bundles>
// kernel: _sc_call.3.cloned.1.call-start
scs
__scs_entry_jumppad:
0x0: {  	(pc) =	sbr.rel $0x88, $3  }
0x1: {  	(tag) =	ssettag $0x0;
	lr =	simm.s32 $0x1  }
0x2: {  	[smem:$0x3F9F] =	sst lr;
	_ =	strace $0xD0000000  }
0x3: {  	_ = 	snop  }
0x4: {  	_ = 	snop  }
0x5: {  	_ = 	snop  }
0x6: {  	_ = 	snop  }
0x7: {  	_ = 	snop  }
__scs_overlays_trampoline_lowered:
0x8: {  	[smem:$0x3FAE] =	sst s0  }
0x9: {  	[smem:$0x3FAF] =	sst s1  }
0xa: {  	[smem:$0x3FB0] =	sst s2  }
0xb: {  	[smem:$0x3FB1] =	sst s3  }
0xc: {  	[smem:$0x3FB2] =	sst s4  }
0xd: {  	[smem:$0x3FB3] =	sst s5  }
0xe: {  	[smem:$0x3FB4] =	sst s6  }
0xf: {  	[smem:$0x3FB5] =	sst s7  }
0x10: {  	[smem:$0x3FB6] =	sst s8  }
0x11: {  	[smem:$0x3FB7] =	sst s9;
	s0 =	simm.s32 @!p0 $0x0  }
0x12: {  	s1 =	sld [smem:$0x3F9D];
	s0 =	simm.s32 @p0 $0x1  }
0x13: {  	[smem:$0x3FB8] =	sst s0;
	s0 =	simm.s32 @!p1 $0x0  }
0x14: {  	s2 =	sld [smem:$0x3F9C];
	s0 =	simm.s32 @p1 $0x1  }
0x15: {  	[smem:$0x3FB9] =	sst s0;
	s0 =	simm.s32 @!p2 $0x0  }
0x16: {  	s3 =	sld [smem:$0x3FDB];
	s0 =	simm.s32 @p2 $0x1  }
0x17: {  	s4 =	simm.s32 $0x1BF5;
	[smem:$0x3FBB] =	sst s0  }
0x18: {  	s0 =	sld [smem:$0x3F9E];
	_ =	swait.ge [sflag:s4], $0x0  }
0x19: {  	s7 =	sld [smem:$0x3F9F]  }
0x1a: {  	s8 =	sadd.s32 $0xFFFFE003, lr  }
0x1b: {  	s9 =	sadd.s32 $0xFFFFFEF7, lr;
	s5 =	simm.s32 $0xFFFFFFFF;
	p2 =	slt.u32 s8, $0xFFFFF086  }
0x1c: {  	p1 =	slt.u32 s9, $0xF7A;
	s5 =	simm.s32 @!p2 $0x0  }
0x1d: {  	s5 =	simm.s32 @p1 $0x1;
	p0 =	seq.s32 s7, s2  }
0x1e: {  	s7 =	smul.u32 @!p0 $0xF7A, s2;
	p2 =	seq.s32 @!p0 s5, $0x0  }
0x1f: {  	s9 =	smul.u32 $0xF7A, s1;
	s8 =	simm.s32 @!p0 $0x1BF5;
	p2 =	por !p2, p0  }
0x20: {  	[sflag:s8] =	ssyncset.s32 @!p0 $0xFFFFF086;
	s6 =	sadd.s32 @!p0 s3, s7;
	s7 =	simm.s32 @!p0 $0x108  }
0x21: {  	s3 =	sadd.s32 s3, s9;
	s6 =	sadd.s32 @!p0 $0x88, s6;
	s7 =	simm.s32 @p2 $0x1082  }
0x22: {  	[simem:s7], [sflag:s8] =	dma.local @!p0 [hbm:s6], $0xF7A  }
0x23: {  	s9 =	sor.u32 $0xD0000000, s2;
	s6 =	simm.s32 $0x108;
	_ =	swait.ge @!p0 [sflag:s8], $0x0  }
0x24: {  	s3 =	sadd.s32 $0x88, s3;
	s6 =	simm.s32 @!p1 $0x1082;
	[sflag:s4] =	ssyncset.s32 $0xFFFFF086  }
0x25: {  	[simem:s6], [sflag:s4] =	dma.local [hbm:s3], $0xF7A  }
0x26: {  	[smem:$0x3F9F] =	sst s1;
	(tag) =	ssettag s2;
	_ =	strace s9  }
0x27: {  	s1 =	sld [smem:$0x3FAF]  }
0x28: {  	s2 =	sld [smem:$0x3FB0]  }
0x29: {  	s4 =	sld [smem:$0x3FB2]  }
0x2a: {  	p0 =	seq.s32 s5, $0x0;
	s5 =	sld [smem:$0x3FB3]  }
0x2b: {  	s6 =	sld [smem:$0x3FB4]  }
0x2c: {  	s7 =	sld [smem:$0x3FB5]  }
0x2d: {  	s3 =	simm.s32 $0x108;
	s8 =	sld [smem:$0x3FB6]  }
0x2e: {  	s3 =	simm.s32 @!p0 $0x1082;
	s9 =	sld [smem:$0x3FB7]  }
0x2f: {  	lr =	sadd.s32 s0, s3;
	s0 =	sld [smem:$0x3FAE]  }
0x30: {  	s3 =	sld [smem:$0x3FB1]  }
0x31: {  	[smem:$0x3FBA] =	sst s10  }
0x32: {  	s10 =	sld [smem:$0x3FB8];
	_ =	sdelay $0x3  }
0x33: {  	p0 =	seq.s32 s10, $0x1;
	s10 =	sld [smem:$0x3FBA];
	_ =	sdelay $0x3  }
0x34: {  	[smem:$0x3FBA] =	sst s10  }
0x35: {  	s10 =	sld [smem:$0x3FB9];
	_ =	sdelay $0x3  }
0x36: {  	p1 =	seq.s32 s10, $0x1;
	s10 =	sld [smem:$0x3FBA];
	_ =	sdelay $0x3  }
0x37: {  	[smem:$0x3FBA] =	sst s10  }
0x38: {  	s10 =	sld [smem:$0x3FBB]  }
0x39: {  	_ = 	snop;
	(pc) =	sbr.ind lr, $3  }
0x3a: {  	_ = 	snop  }
0x3b: {  	_ = 	snop  }
0x3c: {  	p2 =	seq.s32 s10, $0x1;
	s10 =	sld [smem:$0x3FBA]  }
0x3d: {  	_ =	shalt  }
0x3e: {  	_ =	shalt  }
0x3f: {  	_ =	shalt  }
0x40: {  	_ =	shalt  }
0x41: {  	_ =	shalt  }
0x42: {  	_ =	shalt  }
0x43: {  	_ =	shalt  }
0x44: {  	_ =	shalt  }
0x45: {  	_ =	shalt  }
0x46: {  	_ =	shalt  }
0x47: {  	_ =	shalt  }
0x48: {  	_ =	shalt  }
0x49: {  	_ =	shalt  }
0x4a: {  	_ =	shalt  }
0x4b: {  	_ =	shalt  }
0x4c: {  	_ =	shalt  }
0x4d: {  	_ =	shalt  }
0x4e: {  	_ =	shalt  }
0x4f: {  	_ =	shalt  }
0x50: {  	_ =	shalt  }
0x51: {  	_ =	shalt  }
0x52: {  	_ =	shalt  }
0x53: {  	_ =	shalt  }
0x54: {  	_ =	shalt  }
0x55: {  	_ =	shalt  }
0x56: {  	_ =	shalt  }
0x57: {  	_ =	shalt  }
0x58: {  	_ =	shalt  }
0x59: {  	_ =	shalt  }
0x5a: {  	_ =	shalt  }
0x5b: {  	_ =	shalt  }
0x5c: {  	_ =	shalt  }
0x5d: {  	_ =	shalt  }
0x5e: {  	_ =	shalt  }
0x5f: {  	_ =	shalt  }
0x60: {  	_ =	shalt  }
0x61: {  	_ =	shalt  }
0x62: {  	_ =	shalt  }
0x63: {  	_ =	shalt  }
0x64: {  	_ =	shalt  }
0x65: {  	_ =	shalt  }
0x66: {  	_ =	shalt  }
0x67: {  	_ =	shalt  }
0x68: {  	_ =	shalt  }
0x69: {  	_ =	shalt  }
0x6a: {  	_ =	shalt  }
0x6b: {  	_ =	shalt  }
0x6c: {  	_ =	shalt  }
0x6d: {  	_ =	shalt  }
0x6e: {  	_ =	shalt  }
0x6f: {  	_ =	shalt  }
0x70: {  	_ =	shalt  }
0x71: {  	_ =	shalt  }
0x72: {  	_ =	shalt  }
0x73: {  	_ =	shalt  }
0x74: {  	_ =	shalt  }
0x75: {  	_ =	shalt  }
0x76: {  	_ =	shalt  }
0x77: {  	_ =	shalt  }
0x78: {  	_ =	shalt  }
0x79: {  	_ =	shalt  }
0x7a: {  	_ =	shalt  }
0x7b: {  	_ =	shalt  }
0x7c: {  	_ =	shalt  }
0x7d: {  	_ =	shalt  }
0x7e: {  	_ =	shalt  }
0x7f: {  	_ =	shalt  }
0x80: {  	_ =	shalt  }
0x81: {  	_ =	shalt  }
0x82: {  	_ =	shalt  }
0x83: {  	_ =	shalt  }
0x84: {  	_ =	shalt  }
0x85: {  	_ =	shalt  }
0x86: {  	_ =	shalt  }
0x87: {  	_ =	shalt  }
.Lfunc_end0:
.L_simem_size_0:
called_computation_lowered:
.L_overlay_start_0:
0x88: {  	s2 =	sld [smem:$0x3FD9]  }
0x89: {  	s3 =	sld [smem:$0x3FFE];
	_ =	sdelay $0x1  }
0x8a: {  	s1 =	srdreg.scid  }
0x8b: {  	s0 =	sand.u32 $0x1, s1  }
0x8c: {  	s17 =	sshll.u32 s0, $0xA;
	s2 =	sadd.s32 s3, s2  }
0x8d: {  	s2 =	sadd.s32 s2, s17  }
0x8e: {  	[smem:$0x3FC6] =	sst s2  }
0x8f: {  	_ = 	snop  }
0x90: {  	s2 =	sld [smem:$0x3FC9]  }
0x91: {  	s18 =	sld [smem:$0x3FC8];
	(tm) =	ssettm $0x1  }
0x92: {  	s4 =	sld [smem:$0x3FFB];
	_ =	sdelay $0x3  }
0x93: {  	_ =	strace s4  }
0x94: {  	s4 =	sld [smem:$0x3FFC];
	_ =	sdelay $0x3  }
0x95: {  	_ =	strace s4  }
0x96: {  	s4 =	sld [smem:$0x3FFD];
	_ =	sdelay $0x3  }
0x97: {  	_ =	strace s4  }
0x98: {  	_ =	strace $0x8FFFFFFF  }
0x99: {  	s19 =	sld [smem:$0x3FDB];
	_ =	sdelay $0x1  }
0x9a: {  	s5 =	simm.s32 $_scs_section_size  }
0x9b: {  	s6 =	simm.s32 $_size__tile_overlayer_lowered;
	s7 =	simm.s32 $_tile_overlayer_lowered  }
0x9c: {  	s22 =	simm.s32 $0x1BFF;
	s21 =	sshll.u32 s7, $0x1;
	s4 =	sadd.s32 s5, s19  }
0x9d: {  	s8 =	simm.s32 $0x0;
	s20 =	sshll.u32 s6, $0x1;
	s6 =	sadd.s32 s21, s4  }
0x9e: {  	[timem:s8], [sflag:s22] =	dma.local [hbm:s6], s20  }
0x9f: {  	_ =	swait.ge [sflag:s22], s20  }
0xa0: {  	s5 =	ssub.s32 $0x0, s20;
	[sflag:s22] =	ssyncset.done $0x0  }
0xa1: {  	[sflag:s22] =	ssyncadd.s32 s5;
	_ =	sdelay $0x1  }
0xa2: {  	s23 =	simm.s32 $0x1B8B  }
0xa3: {  	_ =	swait.ge [sflag:s23], $0x1  }
0xa4: {  	[sflag:s23] =	ssyncset.done $0x0  }
0xa5: {  	s25 =	simm.s32 $0x1B8E;
	s24 =	sld [smem:$0x3FFE];
	[sflag:s23] =	ssyncadd.s32 $0xFFFFFFFF  }
0xa6: {  	s26 =	simm.s32 $execute0_lowered;
	[smem:$0x3FD2] =	sst s25  }
0xa7: {  	s6 =	sshll.u32 s26, $0x1;
	_ =	strace $0x80000046;
	[dreg:$0x1] =	wrdreg $0xFFFFFFFF  }
0xa8: {  	s28 =	simm.s32 $_size_execute0_lowered;
	s4 =	sadd.s32 s4, s6;
	[dreg:$0x0] =	wrdreg $0x0  }
0xa9: {  	s6 =	sshll.u32 s28, $0x1;
	[dreg:$0x2] =	wrdreg s4  }
0xaa: {  	[dreg:$0x3] =	wrdreg s6  }
0xab: {  	[dreg:$0x4] =	wrdreg $0xC0  }
0xac: {  	_ =	task [dreg:s8], $0x5FFFF  }
0xad: {  	[dreg:$0x1] =	wrdreg $0xFFFFFFFF  }
0xae: {  	[dreg:$0x0] =	wrdreg $0x60  }
0xaf: {  	[dreg:$0x2] =	wrdreg s2  }
0xb0: {  	[dreg:$0x3] =	wrdreg s18  }
0xb1: {  	[dreg:$0x4] =	wrdreg s24  }
0xb2: {  	[dreg:$0x5] =	wrdreg $0x9  }
0xb3: {  	_ =	task.clear_ibuf [dreg:s8], $0x6FFFF;
	_ =	strace $0x90000046  }
0xb4: {  	s29 =	simm.s32 $0x9;
	_ =	strace $0x80000048  }
0xb5: {  	_ =	swait.ge [sflag:s29], $0x1  }
0xb6: {  	[sflag:s29] =	ssyncadd.s32 $0xFFFFFFFF  }
0xb7: {  	_ =	strace $0x90000048  }
0xb8: {  	_ =	sfence  }
0xb9: {  	s30 =	sld [smem:$0x0];
	_ =	sdelay $0x2  }
0xba: {  	s31 =	sshll.u32 s1, $0xD;
	s1 =	sshrl.u32 s1, $0x2  }
0xbb: {  	s3 =	sand.u32 $0x4000, s31;
	s1 =	sadd.s32 s1, s30  }
0xbc: {  	s0 =	sor.u32 s3, s0;
	s1 =	sshll.u32 s1, $0x11  }
0xbd: {  	s0 =	sor.u32 s1, s0  }
0xbe: {  	s0 =	sadd.s32 $0x8F2B, s0  }
0xbf: {  	[sflag:s0] =	ssyncadd.remote.s32 $0x1  }
0xc0: {  	_ =	sfence.sel $0xFFFF  }
0xc1: {  	[dreg:$0x0] =	wrdreg $0xFFFFFFFF;
	(pc) =	sbr.abs _section_cstart, $3  }
0xc2: {  	[dreg:$0x1] =	wrdreg $0xFFFFFFFF  }
0xc3: {  	_ =	task.clear_ibuf [dreg:s8], $0x2FFFF;
	_ =	strace $0x9FFFFFFF  }
0xc4: {  	(tm) =	ssettm $0x7FFFFFFF  }
0xc5: {  	_ =	shalt  }
tec
execute0_lowered:
.L_overlay_start_1:
0x0: {  	(tag) =	ssettag $0x1  }
0x1: {  	s0 =	rddreg [dreg:$0x0]  }
0x2: {  	s2 =	rddreg [dreg:$0x1];
	s1 =	srdreg.scid  }
0x3: {  	s12 =	stileid.u32;
	s4 =	rddreg [dreg:$0x2]  }
0x4: {  	s3 =	simm.s32 $0x0;
	s28 =	simm.s32 $0xAC80;
	s29 =	simm.s32 $0xB480  }
0x5: {  	s30 =	simm.s32 $0xBC80;
	s31 =	simm.s32 $0xC480;
	s1 =	sand.u32 $0x1, s1  }
0x6: {  	s5 =	sshll.u32 s12, $0x1;
	[smem:$0x7FF] =	sst s3;
	s8 =	sshll.u32 s12, $0xD  }
0x7: {  	s4 =	sadd.s32 $0x400, s4;
	s15 =	smul.u32 $0x306000, s12;
	s7 =	sor.u32 s1, s5  }
0x8: {  	_ =	strace $0x80000047;
	s6 =	ssub.s32 $0x2, s1;
	s1 =	smul.u32 $0x183000, s1  }
0x9: {  	s5 =	sshll.u32 s7, $0x8;
	s9 =	sshrl.u32 s6, $0x1;
	s10 =	smul.u32 $0x183000, s7  }
0xa: {  	s7 =	sshllo.u32 s7, $0x1;
	s5 =	sor.u32 s8, s5;
	s9 =	ssub.s32 s6, s9  }
0xb: {  	s6 =	sadd.s32 $0x200, s2;
	s11 =	sshll.u32 s7, $0x7;
	s7 =	smul.u32 $0xC1800, s7  }
0xc: {  	s1 =	sadd.s32 s1, s15;
	s5 =	sand.u32 $0x1C300, s5;
	s10 =	sshrl.u32 s10, $0x3  }
0xd: {  	s8 =	sor.u32 s8, s11;
	s19 =	sshrl.u32 s1, $0x3;
	s21 =	sadd.s32 $0xC000, s1  }
0xe: {  	s23 =	sadd.s32 $0xC1800, s1;
	s1 =	sadd.s32 $0xCD800, s1;
	s25 =	smax.u32 s9, $0x1  }
0xf: {  	s5 =	sshrl.u32 s5, $0x3;
	s10 =	sadd.s32 s4, s10;
	s8 =	sand.u32 $0x1C380, s8  }
0x10: {  	s7 =	sshrl.u32 s7, $0x3;
	s20 =	sadd.s32 s19, s4;
	[dreg:$0x10] =	wrdreg s25  }
0x11: {  	s22 =	sshrl.u32 s21, $0x3;
	s5 =	sadd.s32 s0, s5;
	[dreg:$0x4] =	wrdreg s20  }
0x12: {  	s1 =	sshrl.u32 s1, $0x3;
	s13 =	sadd.s32 $0x15000, s10;
	[dreg:$0x8] =	wrdreg s5  }
0x13: {  	s25 =	simm.s32 $0x1480;
	s16 =	sadd.s32 $0x16800, s10;
	[dreg:$0x9] =	wrdreg s13  }
0x14: {  	s21 =	simm.s32 $0x2;
	s10 =	sadd.s32 $0x18000, s10;
	[dreg:$0xa] =	wrdreg s16  }
0x15: {  	s8 =	sshrl.u32 s8, $0x3;
	s26 =	sadd.s32 s1, s4;
	[dreg:$0xb] =	wrdreg s10  }
0x16: {  	s17 =	sadd.s32 s4, s7;
	s0 =	sadd.s32 s0, s8;
	[dreg:$0x7] =	wrdreg s26  }
0x17: {  	s20 =	simm.s32 $0x1;
	s7 =	sadd.s32 $0x15000, s17;
	[dreg:$0xc] =	wrdreg s0  }
0x18: {  	s1 =	simm.s32 $0x0;
	s18 =	sadd.s32 $0x16800, s17;
	[dreg:$0xd] =	wrdreg s7  }
0x19: {  	s5 =	sadd.s32 $0x100, s2;
	s26 =	simm.s32 $0x1C80;
	[dreg:$0xe] =	wrdreg s18  }
0x1a: {  	v0 =	vlaneseq.u32;
	v2 =	vimm.s32 $0x0;
	s0 =	sadd.s32 $0x18000, s17;
	s7 =	sshrl.u32 s23, $0x3;
	s23 =	simm.s32 $0x80  }
0x1b: {  	v4 =	vimm.s32 $0x7FE;
	vm0 =	vmmov $0xffff;
	v1 =	vmul.u32 $0x2, v0;
	s17 =	simm.s32 $0x3;
	[dreg:$0xf] =	wrdreg s0;
	s0 =	sadd.s32 s22, s4  }
0x1c: {  	v5 =	vimm.s32 $0x7FF;
	v7 =	vshrl.u32 v0, $0x3;
	v6 =	vand.u32 $0x7, v0;
	s18 =	simm.s32 $0x800;
	s24 =	sadd.s32 s7, s4;
	[dreg:$0x5] =	wrdreg s0  }
0x1d: {  	v8 =	vor.u32 $0x8, v0;
	v7 =	vmul.u32 $0x8, v7;
	v3 =	vor.u32 $0x1, v1;
	[dreg:$0x6] =	wrdreg s24;
	s24 =	simm.s32 $0x400;
	s0 =	simm.s32 $0xC80  }
.LBB2_1:
0x1e: {  	[dreg:$0x11] =	wrdreg s1  }
0x1f: {  	s22 =	rddreg [dreg:$0x8]  }
0x20: {  	v9 =	vor.u32 s3, v1;
	[tilespmem:s3], [sflag:$0x3] =	stream.strided.gather [hbm4b:s22+s23], $0x800, s24, s23, $0x38;
	[tilespmem:$0x1BF80] =	vst v63  }
0x21: {  	v10 =	vor.u32 s3, v3;
	_ =	swait.ge [sflag:s17], $0x800  }
0x22: {  	[sflag:s17] =	ssyncset.done $0x0  }
0x23: {  	[sflag:s17] =	ssyncadd.s32 $0xFFFFF800  }
0x24: {  	[tilespmem:$0x800] =	vst v2  }
0x25: {  	v9 =	vld.idx.msk [tilespmem:v9+s3+$0x0], $0xffff  }
0x26: {  	v11 =	vld.idx.msk [tilespmem:v10+s3+$0x0], $0xffff;
	_ =	sdelay $0x1  }
0x27: {  	s23 =	simm.s32 $0x20;
	v10 =	vadd.s32 s20, v0  }
0x28: {  	s22 =	simm.s32 $0x11;
	s24 =	simm.s32 $0x21;
	v12 =	vor.u32 s23, v1  }
.LBB2_2:
0x29: {  	p0 =	sne.s32 s24, $0x3F1;
	v13 =	vor.u32 s23, v3;
	v9 =	vshll.u32 v9, $0x5  }
0x2a: {  	v9 =	vadd.s32 v9, v11  }
0x2b: {  	v9 =	vadd.s32 $0x1, v9  }
0x2c: {  	[tilespmem:v10+s18+$0x0] =	vst.idx.msk $0xffff, v9  }
0x2d: {  	v9 =	vld.idx.msk [tilespmem:v12+s3+$0x0], $0xffff  }
.Ltmp0:
0x2e: {  	v11 =	vld.idx.msk [tilespmem:v13+s3+$0x0], $0xffff;
	(pc) =	sbr.rel @p0 .LBB2_2-.Ltmp0, $3  }
0x2f: {  	_ =	sdelay $0x1  }
0x30: {  	s23 =	sadd.s32 $0x20, s23;
	v10 =	vadd.s32 s22, v0;
	s22 =	smov.u32 s24  }
0x31: {  	s24 =	sadd.s32 $0x10, s24;
	v12 =	vor.u32 s23, v1  }
0x32: {  	_ = 	snop  }
0x33: {  	v13 =	vor.u32 s23, v3;
	v9 =	vshll.u32 v9, $0x5  }
0x34: {  	v9 =	vadd.s32 v9, v11  }
0x35: {  	v9 =	vadd.s32 $0x1, v9  }
0x36: {  	[tilespmem:v10+s18+$0x0] =	vst.idx.msk $0xffff, v9  }
0x37: {  	v9 =	vld.idx.msk [tilespmem:v12+s3+$0x0], $0xffff  }
0x38: {  	v10 =	vld.idx.msk [tilespmem:v13+s3+$0x0], $0xffff;
	_ =	sdelay $0x1  }
0x39: {  	v11 =	vadd.s32 s22, v0;
	_ =	sdelay $0x1  }
0x3a: {  	v9 =	vshll.u32 v9, $0x5  }
0x3b: {  	v9 =	vadd.s32 v9, v10  }
0x3c: {  	v9 =	vadd.s32 $0x1, v9  }
0x3d: {  	[tilespmem:v11+s18+$0x0] =	vst.idx.msk $0xffff, v9  }
0x3e: {  	v9 =	vld [tilespmem:$0x800];
	_ =	sdelay $0x4  }
0x3f: {  	v10 =	vshrl.u32 v9, $0x3  }
0x40: {  	s22 =	simm.s32 $0x0;
	v10 =	vmul.u32 $0x30, v10  }
0x41: {  	v11 =	vld.idx.msk [tilespmem:v4+s22+$0x0], $0xffff;
	v9 =	vand.u32 $0x7, v9  }
0x42: {  	v63 =	vld.idx.msk [tilespmem:v5+s22+$0x0], $0xffff;
	v9 =	vor.u32 v9, v10  }
0x43: {  	v10 =	vperm.xlane v9, v6;
	_ =	sdelay $0x1  }
0x44: {  	v10 =	vadd.s32 v7, v10  }
0x45: {  	v11 =	vshll.u32 v11, $0x5  }
0x46: {  	v11 =	vadd.s32 v11, v63  }
0x47: {  	v11 =	vadd.s32 $0x1, v11  }
0x48: {  	[tilespmem:$0xC00] =	vst v11;
	v9 =	vperm.xlane v9, v8  }
0x49: {  	[tilespmem:s0], [sflag:$0x1] =	stream.indirect_vreg.gather [hbm4b:s2+s22], $0x80, v10, vm0, $0xb8;
	[tilespmem:$0x1BF80] =	vst v63  }
0x4a: {  	v9 =	vadd.s32 v7, v9  }
0x4b: {  	[tilespmem:s25], [sflag:$0x1] =	stream.indirect_vreg.gather [hbm4b:s5+s22], $0x80, v10, vm0, $0xb8;
	[tilespmem:$0x1BF80] =	vst v63  }
0x4c: {  	_ = 	snop  }
0x4d: {  	[tilespmem:s26], [sflag:$0x1] =	stream.indirect_vreg.gather [hbm4b:s6+s22], $0x80, v10, vm0, $0xb8;
	[tilespmem:$0x1BF80] =	vst v63  }
0x4e: {  	s8 =	simm.s32 $0x2480  }
0x4f: {  	[tilespmem:s8], [sflag:$0x1] =	stream.indirect_vreg.gather [hbm4b:s2+s22], $0x80, v9, vm0, $0xb8;
	[tilespmem:$0x1BF80] =	vst v63  }
0x50: {  	s9 =	simm.s32 $0x2C80  }
0x51: {  	[tilespmem:s9], [sflag:$0x1] =	stream.indirect_vreg.gather [hbm4b:s5+s22], $0x80, v9, vm0, $0xb8;
	[tilespmem:$0x1BF80] =	vst v63  }
0x52: {  	s10 =	simm.s32 $0x3480  }
0x53: {  	[tilespmem:s10], [sflag:$0x1] =	stream.indirect_vreg.gather [hbm4b:s6+s22], $0x80, v9, vm0, $0xb8;
	[tilespmem:$0x1BF80] =	vst v63  }
0x54: {  	v9 =	vld [tilespmem:$0x810];
	_ =	sdelay $0x4  }
0x55: {  	v10 =	vshrl.u32 v9, $0x3  }
0x56: {  	v10 =	vmul.u32 $0x30, v10  }
0x57: {  	v9 =	vand.u32 $0x7, v9  }
0x58: {  	v9 =	vor.u32 v9, v10  }
0x59: {  	v10 =	vperm.xlane v9, v6;
	_ =	sdelay $0x1  }
0x5a: {  	v10 =	vadd.s32 v7, v10;
	_ =	sdelay $0x3  }
0x5b: {  	s11 =	simm.s32 $0x3C80;
	v9 =	vperm.xlane v9, v8  }
0x5c: {  	[tilespmem:s11], [sflag:$0x1] =	stream.indirect_vreg.gather [hbm4b:s2+s22], $0x80, v10, vm0, $0xb8;
	[tilespmem:$0x1BF80] =	vst v63  }
0x5d: {  	s12 =	simm.s32 $0x4480;
	v9 =	vadd.s32 v7, v9  }
0x5e: {  	[tilespmem:s12], [sflag:$0x1] =	stream.indirect_vreg.gather [hbm4b:s5+s22], $0x80, v10, vm0, $0xb8;
	[tilespmem:$0x1BF80] =	vst v63  }
0x5f: {  	s13 =	simm.s32 $0x4C80  }
0x60: {  	[tilespmem:s13], [sflag:$0x1] =	stream.indirect_vreg.gather [hbm4b:s6+s22], $0x80, v10, vm0, $0xb8;
	[tilespmem:$0x1BF80] =	vst v63  }
0x61: {  	s14 =	simm.s32 $0x5480  }
0x62: {  	[tilespmem:s14], [sflag:$0x1] =	stream.indirect_vreg.gather [hbm4b:s2+s22], $0x80, v9, vm0, $0xb8;
	[tilespmem:$0x1BF80] =	vst v63  }
0x63: {  	s15 =	simm.s32 $0x5C80  }
0x64: {  	[tilespmem:s15], [sflag:$0x1] =	stream.indirect_vreg.gather [hbm4b:s5+s22], $0x80, v9, vm0, $0xb8;
	[tilespmem:$0x1BF80] =	vst v63  }
0x65: {  	s19 =	simm.s32 $0x6480  }
0x66: {  	[tilespmem:s19], [sflag:$0x1] =	stream.indirect_vreg.gather [hbm4b:s6+s22], $0x80, v9, vm0, $0xb8;
	[tilespmem:$0x1BF80] =	vst v63  }
0x67: {  	v9 =	vld [tilespmem:$0x820];
	_ =	sdelay $0x4  }
0x68: {  	v10 =	vshrl.u32 v9, $0x3  }
0x69: {  	v10 =	vmul.u32 $0x30, v10  }
0x6a: {  	v9 =	vand.u32 $0x7, v9  }
0x6b: {  	v9 =	vor.u32 v9, v10  }
0x6c: {  	v10 =	vperm.xlane v9, v6;
	_ =	sdelay $0x1  }
0x6d: {  	v10 =	vadd.s32 v7, v10;
	_ =	sdelay $0x3  }
0x6e: {  	s23 =	simm.s32 $0x6C80;
	v9 =	vperm.xlane v9, v8  }
0x6f: {  	[tilespmem:s23], [sflag:$0x1] =	stream.indirect_vreg.gather [hbm4b:s2+s22], $0x80, v10, vm0, $0xb8;
	[tilespmem:$0x1BF80] =	vst v63  }
0x70: {  	s24 =	simm.s32 $0x7480;
	v9 =	vadd.s32 v7, v9  }
0x71: {  	[tilespmem:s24], [sflag:$0x1] =	stream.indirect_vreg.gather [hbm4b:s5+s22], $0x80, v10, vm0, $0xb8;
	[tilespmem:$0x1BF80] =	vst v63  }
0x72: {  	s11 =	simm.s32 $0x7C80  }
0x73: {  	[tilespmem:s11], [sflag:$0x1] =	stream.indirect_vreg.gather [hbm4b:s6+s22], $0x80, v10, vm0, $0xb8;
	[tilespmem:$0x1BF80] =	vst v63  }
0x74: {  	s12 =	simm.s32 $0x8480  }
0x75: {  	[tilespmem:s12], [sflag:$0x1] =	stream.indirect_vreg.gather [hbm4b:s2+s22], $0x80, v9, vm0, $0xb8;
	[tilespmem:$0x1BF80] =	vst v63  }
0x76: {  	s13 =	simm.s32 $0x8C80  }
0x77: {  	[tilespmem:s13], [sflag:$0x1] =	stream.indirect_vreg.gather [hbm4b:s5+s22], $0x80, v9, vm0, $0xb8;
	[tilespmem:$0x1BF80] =	vst v63  }
0x78: {  	s14 =	simm.s32 $0x9480  }
0x79: {  	[tilespmem:s14], [sflag:$0x1] =	stream.indirect_vreg.gather [hbm4b:s6+s22], $0x80, v9, vm0, $0xb8;
	[tilespmem:$0x1BF80] =	vst v63  }
0x7a: {  	v9 =	vld [tilespmem:$0x830];
	_ =	sdelay $0x4  }
0x7b: {  	v10 =	vshrl.u32 v9, $0x3  }
0x7c: {  	v10 =	vmul.u32 $0x30, v10  }
0x7d: {  	v9 =	vand.u32 $0x7, v9  }
0x7e: {  	v9 =	vor.u32 v9, v10  }
0x7f: {  	v10 =	vperm.xlane v9, v6;
	_ =	sdelay $0x1  }
0x80: {  	v10 =	vadd.s32 v7, v10;
	_ =	sdelay $0x3  }
0x81: {  	s15 =	simm.s32 $0x9C80;
	v9 =	vperm.xlane v9, v8  }
0x82: {  	[tilespmem:s15], [sflag:$0x1] =	stream.indirect_vreg.gather [hbm4b:s2+s22], $0x80, v10, vm0, $0xb8;
	[tilespmem:$0x1BF80] =	vst v63  }
0x83: {  	s19 =	simm.s32 $0xA480;
	v9 =	vadd.s32 v7, v9  }
0x84: {  	[tilespmem:s19], [sflag:$0x1] =	stream.indirect_vreg.gather [hbm4b:s5+s22], $0x80, v10, vm0, $0xb8;
	[tilespmem:$0x1BF80] =	vst v63  }
0x85: {  	s16 =	simm.s32 $0xC80  }
0x86: {  	[tilespmem:s28], [sflag:$0x1] =	stream.indirect_vreg.gather [hbm4b:s6+s22], $0x80, v10, vm0, $0xb8;
	[tilespmem:$0x1BF80] =	vst v63  }
0x87: {  	s1 =	simm.s32 $0xC480;
	s4 =	simm.s32 $0xF480;
	s7 =	simm.s32 $0xFC80  }
0x88: {  	[tilespmem:s29], [sflag:$0x1] =	stream.indirect_vreg.gather [hbm4b:s2+s22], $0x80, v9, vm0, $0xb8;
	[tilespmem:$0x1BF80] =	vst v63  }
0x89: {  	s0 =	simm.s32 $0xEC80;
	s8 =	simm.s32 $0x10480;
	s9 =	simm.s32 $0x10C80  }
0x8a: {  	[tilespmem:s30], [sflag:$0x1] =	stream.indirect_vreg.gather [hbm4b:s5+s22], $0x80, v9, vm0, $0xb8;
	[tilespmem:$0x1BF80] =	vst v63  }
0x8b: {  	s10 =	simm.s32 $0x11480;
	s23 =	simm.s32 $0x860;
	s28 =	simm.s32 $0xE480  }
0x8c: {  	[tilespmem:s31], [sflag:$0x1] =	stream.indirect_vreg.gather [hbm4b:s6+s22], $0x80, v9, vm0, $0xb8;
	[tilespmem:$0x1BF80] =	vst v63  }
0x8d: {  	s29 =	simm.s32 $0xAC80;
	s30 =	simm.s32 $0xB480;
	s31 =	simm.s32 $0xBC80  }
.LBB2_4:
0x8e: {  	v9 =	vld [tilespmem:s23+$0xFFFFFFE0];
	_ =	sdelay $0x4  }
0x8f: {  	v10 =	vshrl.u32 v9, $0x3  }
0x90: {  	v10 =	vmul.u32 $0x30, v10  }
0x91: {  	v9 =	vand.u32 $0x7, v9  }
0x92: {  	v9 =	vor.u32 v9, v10  }
0x93: {  	v10 =	vperm.xlane v9, v6;
	_ =	sdelay $0x1  }
0x94: {  	v10 =	vadd.s32 v7, v10;
	_ =	sdelay $0x3  }
0x95: {  	v9 =	vperm.xlane v9, v8  }
0x96: {  	[tilespmem:s28], [sflag:$0x2] =	stream.indirect_vreg.gather [hbm4b:s2+s3], $0x80, v10, vm0, $0xb8;
	[tilespmem:$0x1BF80] =	vst v63  }
0x97: {  	v9 =	vadd.s32 v7, v9  }
0x98: {  	[tilespmem:s0], [sflag:$0x2] =	stream.indirect_vreg.gather [hbm4b:s5+s3], $0x80, v10, vm0, $0xb8;
	[tilespmem:$0x1BF80] =	vst v63  }
0x99: {  	_ = 	snop  }
0x9a: {  	[tilespmem:s4], [sflag:$0x2] =	stream.indirect_vreg.gather [hbm4b:s6+s3], $0x80, v10, vm0, $0xb8;
	[tilespmem:$0x1BF80] =	vst v63  }
0x9b: {  	_ = 	snop  }
0x9c: {  	[tilespmem:s7], [sflag:$0x2] =	stream.indirect_vreg.gather [hbm4b:s2+s3], $0x80, v9, vm0, $0xb8;
	[tilespmem:$0x1BF80] =	vst v63  }
0x9d: {  	_ = 	snop  }
0x9e: {  	[tilespmem:s8], [sflag:$0x2] =	stream.indirect_vreg.gather [hbm4b:s5+s3], $0x80, v9, vm0, $0xb8;
	[tilespmem:$0x1BF80] =	vst v63  }
0x9f: {  	_ = 	snop  }
0xa0: {  	[tilespmem:s9], [sflag:$0x2] =	stream.indirect_vreg.gather [hbm4b:s6+s3], $0x80, v9, vm0, $0xb8;
	[tilespmem:$0x1BF80] =	vst v63  }
0xa1: {  	v9 =	vld [tilespmem:s23+$0xFFFFFFF0];
	_ =	sdelay $0x4  }
0xa2: {  	v10 =	vshrl.u32 v9, $0x3  }
0xa3: {  	v10 =	vmul.u32 $0x30, v10  }
0xa4: {  	v9 =	vand.u32 $0x7, v9  }
0xa5: {  	v9 =	vor.u32 v9, v10  }
0xa6: {  	v10 =	vperm.xlane v9, v6;
	_ =	sdelay $0x1  }
0xa7: {  	v10 =	vadd.s32 v7, v10;
	_ =	sdelay $0x3  }
0xa8: {  	v9 =	vperm.xlane v9, v8  }
0xa9: {  	[tilespmem:s10], [sflag:$0x2] =	stream.indirect_vreg.gather [hbm4b:s2+s3], $0x80, v10, vm0, $0xb8;
	[tilespmem:$0x1BF80] =	vst v63  }
0xaa: {  	s24 =	simm.s32 $0x11C80;
	v9 =	vadd.s32 v7, v9  }
0xab: {  	[tilespmem:s24], [sflag:$0x2] =	stream.indirect_vreg.gather [hbm4b:s5+s3], $0x80, v10, vm0, $0xb8;
	[tilespmem:$0x1BF80] =	vst v63  }
0xac: {  	s24 =	simm.s32 $0x12480  }
0xad: {  	[tilespmem:s24], [sflag:$0x2] =	stream.indirect_vreg.gather [hbm4b:s6+s3], $0x80, v10, vm0, $0xb8;
	[tilespmem:$0x1BF80] =	vst v63  }
0xae: {  	s24 =	simm.s32 $0x12C80  }
0xaf: {  	[tilespmem:s24], [sflag:$0x2] =	stream.indirect_vreg.gather [hbm4b:s2+s3], $0x80, v9, vm0, $0xb8;
	[tilespmem:$0x1BF80] =	vst v63  }
0xb0: {  	s24 =	simm.s32 $0x13480  }
0xb1: {  	[tilespmem:s24], [sflag:$0x2] =	stream.indirect_vreg.gather [hbm4b:s5+s3], $0x80, v9, vm0, $0xb8;
	[tilespmem:$0x1BF80] =	vst v63  }
0xb2: {  	s24 =	simm.s32 $0x13C80  }
0xb3: {  	[tilespmem:s24], [sflag:$0x2] =	stream.indirect_vreg.gather [hbm4b:s6+s3], $0x80, v9, vm0, $0xb8;
	[tilespmem:$0x1BF80] =	vst v63  }
0xb4: {  	v9 =	vld [tilespmem:s23+$0x0];
	_ =	sdelay $0x4  }
0xb5: {  	v10 =	vshrl.u32 v9, $0x3  }
0xb6: {  	v10 =	vmul.u32 $0x30, v10  }
0xb7: {  	v9 =	vand.u32 $0x7, v9  }
0xb8: {  	v9 =	vor.u32 v9, v10  }
0xb9: {  	v10 =	vperm.xlane v9, v6;
	_ =	sdelay $0x1  }
0xba: {  	v10 =	vadd.s32 v7, v10;
	_ =	sdelay $0x3  }
0xbb: {  	s24 =	simm.s32 $0x14480;
	v9 =	vperm.xlane v9, v8  }
0xbc: {  	[tilespmem:s24], [sflag:$0x2] =	stream.indirect_vreg.gather [hbm4b:s2+s3], $0x80, v10, vm0, $0xb8;
	[tilespmem:$0x1BF80] =	vst v63  }
0xbd: {  	v9 =	vadd.s32 v7, v9;
	s24 =	simm.s32 $0x14C80  }
0xbe: {  	[tilespmem:s24], [sflag:$0x2] =	stream.indirect_vreg.gather [hbm4b:s5+s3], $0x80, v10, vm0, $0xb8;
	[tilespmem:$0x1BF80] =	vst v63  }
0xbf: {  	s24 =	simm.s32 $0x15480  }
0xc0: {  	[tilespmem:s24], [sflag:$0x2] =	stream.indirect_vreg.gather [hbm4b:s6+s3], $0x80, v10, vm0, $0xb8;
	[tilespmem:$0x1BF80] =	vst v63  }
0xc1: {  	s24 =	simm.s32 $0x15C80  }
0xc2: {  	[tilespmem:s24], [sflag:$0x2] =	stream.indirect_vreg.gather [hbm4b:s2+s3], $0x80, v9, vm0, $0xb8;
	[tilespmem:$0x1BF80] =	vst v63  }
0xc3: {  	s24 =	simm.s32 $0x16480  }
0xc4: {  	[tilespmem:s24], [sflag:$0x2] =	stream.indirect_vreg.gather [hbm4b:s5+s3], $0x80, v9, vm0, $0xb8;
	[tilespmem:$0x1BF80] =	vst v63  }
0xc5: {  	s24 =	simm.s32 $0x16C80  }
0xc6: {  	[tilespmem:s24], [sflag:$0x2] =	stream.indirect_vreg.gather [hbm4b:s6+s3], $0x80, v9, vm0, $0xb8;
	[tilespmem:$0x1BF80] =	vst v63  }
0xc7: {  	v9 =	vld [tilespmem:s23+$0x10];
	_ =	sdelay $0x4  }
0xc8: {  	v10 =	vshrl.u32 v9, $0x3  }
0xc9: {  	v10 =	vmul.u32 $0x30, v10  }
0xca: {  	v9 =	vand.u32 $0x7, v9  }
0xcb: {  	v9 =	vor.u32 v9, v10  }
0xcc: {  	v10 =	vperm.xlane v9, v6;
	_ =	sdelay $0x1  }
0xcd: {  	v10 =	vadd.s32 v7, v10;
	_ =	sdelay $0x3  }
0xce: {  	s24 =	simm.s32 $0x17480;
	v9 =	vperm.xlane v9, v8  }
0xcf: {  	[tilespmem:s24], [sflag:$0x2] =	stream.indirect_vreg.gather [hbm4b:s2+s3], $0x80, v10, vm0, $0xb8;
	[tilespmem:$0x1BF80] =	vst v63  }
0xd0: {  	v9 =	vadd.s32 v7, v9;
	s24 =	simm.s32 $0x17C80  }
0xd1: {  	[tilespmem:s24], [sflag:$0x2] =	stream.indirect_vreg.gather [hbm4b:s5+s3], $0x80, v10, vm0, $0xb8;
	[tilespmem:$0x1BF80] =	vst v63  }
0xd2: {  	s24 =	simm.s32 $0x18480  }
0xd3: {  	[tilespmem:s24], [sflag:$0x2] =	stream.indirect_vreg.gather [hbm4b:s6+s3], $0x80, v10, vm0, $0xb8;
	[tilespmem:$0x1BF80] =	vst v63  }
0xd4: {  	s24 =	simm.s32 $0x18C80  }
0xd5: {  	[tilespmem:s24], [sflag:$0x2] =	stream.indirect_vreg.gather [hbm4b:s2+s3], $0x80, v9, vm0, $0xb8;
	[tilespmem:$0x1BF80] =	vst v63  }
0xd6: {  	s24 =	simm.s32 $0x19480  }
0xd7: {  	[tilespmem:s24], [sflag:$0x2] =	stream.indirect_vreg.gather [hbm4b:s5+s3], $0x80, v9, vm0, $0xb8;
	[tilespmem:$0x1BF80] =	vst v63  }
0xd8: {  	s24 =	simm.s32 $0x19C80  }
0xd9: {  	[tilespmem:s24], [sflag:$0x2] =	stream.indirect_vreg.gather [hbm4b:s6+s3], $0x80, v9, vm0, $0xb8;
	[tilespmem:$0x1BF80] =	vst v63  }
0xda: {  	_ =	swait.ge [sflag:s20], $0xC000  }
0xdb: {  	s24 =	rddreg [dreg:$0x4];
	[sflag:s20] =	ssyncset.done $0x0  }
0xdc: {  	[sflag:s20] =	ssyncadd.s32 $0xFFFF4000;
	s24 =	sadd.s32 s22, s24  }
0xdd: {  	[hbm4b:s24+s3] =	stream.linear.scatter [tilespmem:s16], [sflag:$0x3], $0xC000, $0x38;
	[tilespmem:$0x1BF80] =	vst v63  }
0xde: {  	_ =	swait.ge [sflag:s17], $0xC000  }
0xdf: {  	[sflag:s17] =	ssyncset.done $0x0  }
0xe0: {  	[sflag:s17] =	ssyncadd.s32 $0xFFFF4000  }
0xe1: {  	v9 =	vld [tilespmem:s23+$0x20];
	_ =	sdelay $0x4  }
0xe2: {  	v10 =	vshrl.u32 v9, $0x3  }
0xe3: {  	v10 =	vmul.u32 $0x30, v10  }
0xe4: {  	v9 =	vand.u32 $0x7, v9  }
0xe5: {  	v9 =	vor.u32 v9, v10  }
0xe6: {  	v10 =	vperm.xlane v9, v6;
	_ =	sdelay $0x1  }
0xe7: {  	v10 =	vadd.s32 v7, v10;
	_ =	sdelay $0x3  }
0xe8: {  	v9 =	vperm.xlane v9, v8  }
0xe9: {  	[tilespmem:s16], [sflag:$0x1] =	stream.indirect_vreg.gather [hbm4b:s2+s3], $0x80, v10, vm0, $0xb8;
	[tilespmem:$0x1BF80] =	vst v63  }
0xea: {  	v9 =	vadd.s32 v7, v9  }
0xeb: {  	[tilespmem:s25], [sflag:$0x1] =	stream.indirect_vreg.gather [hbm4b:s5+s3], $0x80, v10, vm0, $0xb8;
	[tilespmem:$0x1BF80] =	vst v63  }
0xec: {  	_ = 	snop  }
0xed: {  	[tilespmem:s26], [sflag:$0x1] =	stream.indirect_vreg.gather [hbm4b:s6+s3], $0x80, v10, vm0, $0xb8;
	[tilespmem:$0x1BF80] =	vst v63  }
0xee: {  	s24 =	simm.s32 $0x2480  }
0xef: {  	[tilespmem:s24], [sflag:$0x1] =	stream.indirect_vreg.gather [hbm4b:s2+s3], $0x80, v9, vm0, $0xb8;
	[tilespmem:$0x1BF80] =	vst v63  }
0xf0: {  	s24 =	simm.s32 $0x2C80  }
0xf1: {  	[tilespmem:s24], [sflag:$0x1] =	stream.indirect_vreg.gather [hbm4b:s5+s3], $0x80, v9, vm0, $0xb8;
	[tilespmem:$0x1BF80] =	vst v63  }
0xf2: {  	s24 =	simm.s32 $0x3480  }
0xf3: {  	[tilespmem:s24], [sflag:$0x1] =	stream.indirect_vreg.gather [hbm4b:s6+s3], $0x80, v9, vm0, $0xb8;
	[tilespmem:$0x1BF80] =	vst v63  }
0xf4: {  	v9 =	vld [tilespmem:s23+$0x30];
	_ =	sdelay $0x4  }
0xf5: {  	v10 =	vshrl.u32 v9, $0x3  }
0xf6: {  	v10 =	vmul.u32 $0x30, v10  }
0xf7: {  	v9 =	vand.u32 $0x7, v9  }
0xf8: {  	v9 =	vor.u32 v9, v10  }
0xf9: {  	v10 =	vperm.xlane v9, v6;
	_ =	sdelay $0x1  }
0xfa: {  	v10 =	vadd.s32 v7, v10;
	_ =	sdelay $0x3  }
0xfb: {  	s24 =	simm.s32 $0x3C80;
	v9 =	vperm.xlane v9, v8  }
0xfc: {  	[tilespmem:s24], [sflag:$0x1] =	stream.indirect_vreg.gather [hbm4b:s2+s3], $0x80, v10, vm0, $0xb8;
	[tilespmem:$0x1BF80] =	vst v63  }
0xfd: {  	v9 =	vadd.s32 v7, v9;
	s24 =	simm.s32 $0x4480  }
0xfe: {  	[tilespmem:s24], [sflag:$0x1] =	stream.indirect_vreg.gather [hbm4b:s5+s3], $0x80, v10, vm0, $0xb8;
	[tilespmem:$0x1BF80] =	vst v63  }
0xff: {  	s24 =	simm.s32 $0x4C80  }
0x100: {  	[tilespmem:s24], [sflag:$0x1] =	stream.indirect_vreg.gather [hbm4b:s6+s3], $0x80, v10, vm0, $0xb8;
	[tilespmem:$0x1BF80] =	vst v63  }
0x101: {  	s24 =	simm.s32 $0x5480  }
0x102: {  	[tilespmem:s24], [sflag:$0x1] =	stream.indirect_vreg.gather [hbm4b:s2+s3], $0x80, v9, vm0, $0xb8;
	[tilespmem:$0x1BF80] =	vst v63  }
0x103: {  	s24 =	simm.s32 $0x5C80  }
0x104: {  	[tilespmem:s24], [sflag:$0x1] =	stream.indirect_vreg.gather [hbm4b:s5+s3], $0x80, v9, vm0, $0xb8;
	[tilespmem:$0x1BF80] =	vst v63  }
0x105: {  	s24 =	simm.s32 $0x6480  }
0x106: {  	[tilespmem:s24], [sflag:$0x1] =	stream.indirect_vreg.gather [hbm4b:s6+s3], $0x80, v9, vm0, $0xb8;
	[tilespmem:$0x1BF80] =	vst v63  }
0x107: {  	v9 =	vld [tilespmem:s23+$0x40];
	_ =	sdelay $0x4  }
0x108: {  	v10 =	vshrl.u32 v9, $0x3  }
0x109: {  	v10 =	vmul.u32 $0x30, v10  }
0x10a: {  	v9 =	vand.u32 $0x7, v9  }
0x10b: {  	v9 =	vor.u32 v9, v10  }
0x10c: {  	v10 =	vperm.xlane v9, v6;
	_ =	sdelay $0x1  }
0x10d: {  	v10 =	vadd.s32 v7, v10;
	_ =	sdelay $0x3  }
0x10e: {  	s24 =	simm.s32 $0x6C80;
	v9 =	vperm.xlane v9, v8  }
0x10f: {  	[tilespmem:s24], [sflag:$0x1] =	stream.indirect_vreg.gather [hbm4b:s2+s3], $0x80, v10, vm0, $0xb8;
	[tilespmem:$0x1BF80] =	vst v63  }
0x110: {  	v9 =	vadd.s32 v7, v9;
	s24 =	simm.s32 $0x7480  }
0x111: {  	[tilespmem:s24], [sflag:$0x1] =	stream.indirect_vreg.gather [hbm4b:s5+s3], $0x80, v10, vm0, $0xb8;
	[tilespmem:$0x1BF80] =	vst v63  }
0x112: {  	_ = 	snop  }
0x113: {  	[tilespmem:s11], [sflag:$0x1] =	stream.indirect_vreg.gather [hbm4b:s6+s3], $0x80, v10, vm0, $0xb8;
	[tilespmem:$0x1BF80] =	vst v63  }
0x114: {  	_ = 	snop  }
0x115: {  	[tilespmem:s12], [sflag:$0x1] =	stream.indirect_vreg.gather [hbm4b:s2+s3], $0x80, v9, vm0, $0xb8;
	[tilespmem:$0x1BF80] =	vst v63  }
0x116: {  	_ = 	snop  }
0x117: {  	[tilespmem:s13], [sflag:$0x1] =	stream.indirect_vreg.gather [hbm4b:s5+s3], $0x80, v9, vm0, $0xb8;
	[tilespmem:$0x1BF80] =	vst v63  }
0x118: {  	_ = 	snop  }
0x119: {  	[tilespmem:s14], [sflag:$0x1] =	stream.indirect_vreg.gather [hbm4b:s6+s3], $0x80, v9, vm0, $0xb8;
	[tilespmem:$0x1BF80] =	vst v63  }
0x11a: {  	v9 =	vld [tilespmem:s23+$0x50];
	_ =	sdelay $0x4  }
0x11b: {  	v10 =	vshrl.u32 v9, $0x3  }
0x11c: {  	v10 =	vmul.u32 $0x30, v10  }
0x11d: {  	v9 =	vand.u32 $0x7, v9  }
0x11e: {  	v9 =	vor.u32 v9, v10  }
0x11f: {  	v10 =	vperm.xlane v9, v6;
	_ =	sdelay $0x1  }
0x120: {  	v10 =	vadd.s32 v7, v10;
	_ =	sdelay $0x3  }
0x121: {  	v9 =	vperm.xlane v9, v8  }
0x122: {  	[tilespmem:s15], [sflag:$0x1] =	stream.indirect_vreg.gather [hbm4b:s2+s3], $0x80, v10, vm0, $0xb8;
	[tilespmem:$0x1BF80] =	vst v63  }
0x123: {  	v9 =	vadd.s32 v7, v9  }
0x124: {  	[tilespmem:s19], [sflag:$0x1] =	stream.indirect_vreg.gather [hbm4b:s5+s3], $0x80, v10, vm0, $0xb8;
	[tilespmem:$0x1BF80] =	vst v63  }
0x125: {  	_ = 	snop  }
0x126: {  	[tilespmem:s29], [sflag:$0x1] =	stream.indirect_vreg.gather [hbm4b:s6+s3], $0x80, v10, vm0, $0xb8;
	[tilespmem:$0x1BF80] =	vst v63  }
0x127: {  	_ = 	snop  }
0x128: {  	[tilespmem:s30], [sflag:$0x1] =	stream.indirect_vreg.gather [hbm4b:s2+s3], $0x80, v9, vm0, $0xb8;
	[tilespmem:$0x1BF80] =	vst v63  }
0x129: {  	_ = 	snop  }
0x12a: {  	[tilespmem:s31], [sflag:$0x1] =	stream.indirect_vreg.gather [hbm4b:s5+s3], $0x80, v9, vm0, $0xb8;
	[tilespmem:$0x1BF80] =	vst v63  }
0x12b: {  	_ = 	snop  }
0x12c: {  	[tilespmem:s1], [sflag:$0x1] =	stream.indirect_vreg.gather [hbm4b:s6+s3], $0x80, v9, vm0, $0xb8;
	[tilespmem:$0x1BF80] =	vst v63  }
0x12d: {  	_ =	swait.ge [sflag:s21], $0xC000  }
0x12e: {  	p0 =	sne.s32 s22, $0x12000;
	s24 =	rddreg [dreg:$0x5];
	[sflag:s21] =	ssyncset.done $0x0  }
.Ltmp1:
0x12f: {  	[sflag:s21] =	ssyncadd.s32 $0xFFFF4000;
	s24 =	sadd.s32 s22, s24;
	(pc) =	sbr.rel @p0 .LBB2_4-.Ltmp1, $4  }
0x130: {  	[hbm4b:s24+s3] =	stream.linear.scatter [tilespmem:s28], [sflag:$0x3], $0xC000, $0x38;
	[tilespmem:$0x1BF80] =	vst v63  }
0x131: {  	_ =	swait.ge [sflag:s17], $0xC000  }
0x132: {  	[sflag:s17] =	ssyncset.done $0x0  }
0x133: {  	s23 =	sadd.s32 $0x80, s23;
	s22 =	sadd.s32 $0x3000, s22;
	[sflag:s17] =	ssyncadd.s32 $0xFFFF4000  }
0x134: {  	v9 =	vld [tilespmem:$0xBC0];
	_ =	sdelay $0x4  }
0x135: {  	v10 =	vshrl.u32 v9, $0x3  }
0x136: {  	v10 =	vmul.u32 $0x30, v10  }
0x137: {  	v9 =	vand.u32 $0x7, v9  }
0x138: {  	v9 =	vor.u32 v9, v10  }
0x139: {  	v10 =	vperm.xlane v9, v6;
	_ =	sdelay $0x1  }
0x13a: {  	v10 =	vadd.s32 v7, v10;
	_ =	sdelay $0x3  }
0x13b: {  	s22 =	simm.s32 $0x0;
	v9 =	vperm.xlane v9, v8  }
0x13c: {  	[tilespmem:s28], [sflag:$0x2] =	stream.indirect_vreg.gather [hbm4b:s2+s22], $0x80, v10, vm0, $0xb8;
	[tilespmem:$0x1BF80] =	vst v63  }
0x13d: {  	v9 =	vadd.s32 v7, v9  }
0x13e: {  	[tilespmem:s0], [sflag:$0x2] =	stream.indirect_vreg.gather [hbm4b:s5+s22], $0x80, v10, vm0, $0xb8;
	[tilespmem:$0x1BF80] =	vst v63  }
0x13f: {  	_ = 	snop  }
0x140: {  	[tilespmem:s4], [sflag:$0x2] =	stream.indirect_vreg.gather [hbm4b:s6+s22], $0x80, v10, vm0, $0xb8;
	[tilespmem:$0x1BF80] =	vst v63  }
0x141: {  	_ = 	snop  }
0x142: {  	[tilespmem:s7], [sflag:$0x2] =	stream.indirect_vreg.gather [hbm4b:s2+s22], $0x80, v9, vm0, $0xb8;
	[tilespmem:$0x1BF80] =	vst v63  }
0x143: {  	_ = 	snop  }
0x144: {  	[tilespmem:s8], [sflag:$0x2] =	stream.indirect_vreg.gather [hbm4b:s5+s22], $0x80, v9, vm0, $0xb8;
	[tilespmem:$0x1BF80] =	vst v63  }
0x145: {  	_ = 	snop  }
0x146: {  	[tilespmem:s9], [sflag:$0x2] =	stream.indirect_vreg.gather [hbm4b:s6+s22], $0x80, v9, vm0, $0xb8;
	[tilespmem:$0x1BF80] =	vst v63  }
0x147: {  	v9 =	vld [tilespmem:$0xBD0];
	_ =	sdelay $0x4  }
0x148: {  	v10 =	vshrl.u32 v9, $0x3  }
0x149: {  	v10 =	vmul.u32 $0x30, v10  }
0x14a: {  	v9 =	vand.u32 $0x7, v9  }
0x14b: {  	v9 =	vor.u32 v9, v10  }
0x14c: {  	v10 =	vperm.xlane v9, v6;
	_ =	sdelay $0x1  }
0x14d: {  	v10 =	vadd.s32 v7, v10;
	_ =	sdelay $0x3  }
0x14e: {  	v9 =	vperm.xlane v9, v8  }
0x14f: {  	[tilespmem:s10], [sflag:$0x2] =	stream.indirect_vreg.gather [hbm4b:s2+s22], $0x80, v10, vm0, $0xb8;
	[tilespmem:$0x1BF80] =	vst v63  }
0x150: {  	s25 =	simm.s32 $0x11C80;
	v9 =	vadd.s32 v7, v9  }
0x151: {  	[tilespmem:s25], [sflag:$0x2] =	stream.indirect_vreg.gather [hbm4b:s5+s22], $0x80, v10, vm0, $0xb8;
	[tilespmem:$0x1BF80] =	vst v63  }
0x152: {  	s26 =	simm.s32 $0x12480  }
0x153: {  	[tilespmem:s26], [sflag:$0x2] =	stream.indirect_vreg.gather [hbm4b:s6+s22], $0x80, v10, vm0, $0xb8;
	[tilespmem:$0x1BF80] =	vst v63  }
0x154: {  	s29 =	simm.s32 $0x12C80  }
0x155: {  	[tilespmem:s29], [sflag:$0x2] =	stream.indirect_vreg.gather [hbm4b:s2+s22], $0x80, v9, vm0, $0xb8;
	[tilespmem:$0x1BF80] =	vst v63  }
0x156: {  	s30 =	simm.s32 $0x13480  }
0x157: {  	[tilespmem:s30], [sflag:$0x2] =	stream.indirect_vreg.gather [hbm4b:s5+s22], $0x80, v9, vm0, $0xb8;
	[tilespmem:$0x1BF80] =	vst v63  }
0x158: {  	s31 =	simm.s32 $0x13C80  }
0x159: {  	[tilespmem:s31], [sflag:$0x2] =	stream.indirect_vreg.gather [hbm4b:s6+s22], $0x80, v9, vm0, $0xb8;
	[tilespmem:$0x1BF80] =	vst v63  }
0x15a: {  	v9 =	vld [tilespmem:$0xBE0];
	_ =	sdelay $0x4  }
0x15b: {  	v10 =	vshrl.u32 v9, $0x3  }
0x15c: {  	v10 =	vmul.u32 $0x30, v10  }
0x15d: {  	v9 =	vand.u32 $0x7, v9  }
0x15e: {  	v9 =	vor.u32 v9, v10  }
0x15f: {  	v10 =	vperm.xlane v9, v6;
	_ =	sdelay $0x1  }
0x160: {  	v10 =	vadd.s32 v7, v10;
	_ =	sdelay $0x3  }
0x161: {  	s1 =	simm.s32 $0x14480;
	v9 =	vperm.xlane v9, v8  }
0x162: {  	[tilespmem:s1], [sflag:$0x2] =	stream.indirect_vreg.gather [hbm4b:s2+s22], $0x80, v10, vm0, $0xb8;
	[tilespmem:$0x1BF80] =	vst v63  }
0x163: {  	s4 =	simm.s32 $0x14C80;
	v9 =	vadd.s32 v7, v9  }
0x164: {  	[tilespmem:s4], [sflag:$0x2] =	stream.indirect_vreg.gather [hbm4b:s5+s22], $0x80, v10, vm0, $0xb8;
	[tilespmem:$0x1BF80] =	vst v63  }
0x165: {  	s7 =	simm.s32 $0x15480  }
0x166: {  	[tilespmem:s7], [sflag:$0x2] =	stream.indirect_vreg.gather [hbm4b:s6+s22], $0x80, v10, vm0, $0xb8;
	[tilespmem:$0x1BF80] =	vst v63  }
0x167: {  	s8 =	simm.s32 $0x15C80  }
0x168: {  	[tilespmem:s8], [sflag:$0x2] =	stream.indirect_vreg.gather [hbm4b:s2+s22], $0x80, v9, vm0, $0xb8;
	[tilespmem:$0x1BF80] =	vst v63  }
0x169: {  	s9 =	simm.s32 $0x16480  }
0x16a: {  	[tilespmem:s9], [sflag:$0x2] =	stream.indirect_vreg.gather [hbm4b:s5+s22], $0x80, v9, vm0, $0xb8;
	[tilespmem:$0x1BF80] =	vst v63  }
0x16b: {  	s10 =	simm.s32 $0x16C80  }
0x16c: {  	[tilespmem:s10], [sflag:$0x2] =	stream.indirect_vreg.gather [hbm4b:s6+s22], $0x80, v9, vm0, $0xb8;
	[tilespmem:$0x1BF80] =	vst v63  }
0x16d: {  	v9 =	vld [tilespmem:$0xBF0];
	_ =	sdelay $0x4  }
0x16e: {  	v10 =	vshrl.u32 v9, $0x3  }
0x16f: {  	v10 =	vmul.u32 $0x30, v10  }
0x170: {  	v9 =	vand.u32 $0x7, v9  }
0x171: {  	v9 =	vor.u32 v9, v10  }
0x172: {  	v10 =	vperm.xlane v9, v6;
	_ =	sdelay $0x1  }
0x173: {  	v10 =	vadd.s32 v7, v10;
	_ =	sdelay $0x3  }
0x174: {  	s11 =	simm.s32 $0x17480;
	v9 =	vperm.xlane v9, v8  }
0x175: {  	[tilespmem:s11], [sflag:$0x2] =	stream.indirect_vreg.gather [hbm4b:s2+s22], $0x80, v10, vm0, $0xb8;
	[tilespmem:$0x1BF80] =	vst v63  }
0x176: {  	s12 =	simm.s32 $0x17C80;
	v9 =	vadd.s32 v7, v9  }
0x177: {  	[tilespmem:s12], [sflag:$0x2] =	stream.indirect_vreg.gather [hbm4b:s5+s22], $0x80, v10, vm0, $0xb8;
	[tilespmem:$0x1BF80] =	vst v63  }
0x178: {  	s13 =	simm.s32 $0x18480  }
0x179: {  	[tilespmem:s13], [sflag:$0x2] =	stream.indirect_vreg.gather [hbm4b:s6+s22], $0x80, v10, vm0, $0xb8;
	[tilespmem:$0x1BF80] =	vst v63  }
0x17a: {  	s14 =	simm.s32 $0x18C80  }
0x17b: {  	[tilespmem:s14], [sflag:$0x2] =	stream.indirect_vreg.gather [hbm4b:s2+s22], $0x80, v9, vm0, $0xb8;
	[tilespmem:$0x1BF80] =	vst v63  }
0x17c: {  	s15 =	simm.s32 $0x19480  }
0x17d: {  	[tilespmem:s15], [sflag:$0x2] =	stream.indirect_vreg.gather [hbm4b:s5+s22], $0x80, v9, vm0, $0xb8;
	[tilespmem:$0x1BF80] =	vst v63  }
0x17e: {  	s19 =	simm.s32 $0x19C80  }
0x17f: {  	[tilespmem:s19], [sflag:$0x2] =	stream.indirect_vreg.gather [hbm4b:s6+s22], $0x80, v9, vm0, $0xb8;
	[tilespmem:$0x1BF80] =	vst v63  }
0x180: {  	v9 =	vld.msk [tilespmem:$0xC00], $0xff;
	_ =	sdelay $0x4  }
0x181: {  	v10 =	vshrl.u32 v9, $0x3  }
0x182: {  	v10 =	vmul.u32 $0x30, v10  }
0x183: {  	v9 =	vand.u32 $0x7, v9  }
0x184: {  	v9 =	vor.u32 v9, v10  }
0x185: {  	v9 =	vperm.xlane v9, v6;
	_ =	sdelay $0x1  }
0x186: {  	v9 =	vadd.s32 v7, v9;
	_ =	sdelay $0x3  }
0x187: {  	s23 =	simm.s32 $0x1A480  }
0x188: {  	[tilespmem:s23], [sflag:$0x2] =	stream.indirect_vreg.gather [hbm4b:s2+s22], $0x80, v9, vm0, $0xb8;
	[tilespmem:$0x1BF80] =	vst v63  }
0x189: {  	s24 =	simm.s32 $0x1AC80  }
0x18a: {  	[tilespmem:s24], [sflag:$0x2] =	stream.indirect_vreg.gather [hbm4b:s5+s22], $0x80, v9, vm0, $0xb8;
	[tilespmem:$0x1BF80] =	vst v63  }
0x18b: {  	s25 =	simm.s32 $0x1B480  }
0x18c: {  	[tilespmem:s25], [sflag:$0x2] =	stream.indirect_vreg.gather [hbm4b:s6+s22], $0x80, v9, vm0, $0xb8;
	[tilespmem:$0x1BF80] =	vst v63  }
0x18d: {  	_ =	swait.ge [sflag:s20], $0xC000  }
0x18e: {  	[sflag:s20] =	ssyncset.done $0x0  }
0x18f: {  	s23 =	rddreg [dreg:$0x9];
	[sflag:s20] =	ssyncadd.s32 $0xFFFF4000  }
0x190: {  	[hbm4b:s23+s22] =	stream.linear.scatter [tilespmem:s16], [sflag:$0x3], $0xC000, $0x38;
	[tilespmem:$0x1BF80] =	vst v63  }
0x191: {  	_ =	swait.ge [sflag:s17], $0xC000  }
0x192: {  	[sflag:s17] =	ssyncset.done $0x0  }
0x193: {  	[sflag:s17] =	ssyncadd.s32 $0xFFFF4000  }
0x194: {  	_ =	swait.ge [sflag:s21], $0xD800  }
0x195: {  	[sflag:s21] =	ssyncset.done $0x0  }
0x196: {  	s26 =	rddreg [dreg:$0xa];
	[sflag:s21] =	ssyncadd.s32 $0xFFFF2800  }
0x197: {  	[hbm4b:s26+s22] =	stream.linear.scatter [tilespmem:s28], [sflag:$0x3], $0xC000, $0x38;
	[tilespmem:$0x1BF80] =	vst v63  }
0x198: {  	s29 =	sand.u32 $0x7000, s22;
	_ =	swait.ge [sflag:s17], $0xC000  }
0x199: {  	s23 =	sshrl.u32 s29, $0x2;
	s22 =	sand.u32 $0x70, s22;
	[sflag:s17] =	ssyncset.done $0x0  }
0x19a: {  	s22 =	sor.u32 s22, s23;
	[sflag:s17] =	ssyncadd.s32 $0xFFFF4000  }
0x19b: {  	v9 =	vld [tilespmem:s22+$0x1A480];
	_ =	sdelay $0x1  }
0x19c: {  	s30 =	simm.s32 $0x200  }
0x19d: {  	s31 =	simm.s32 $0x10;
	s24 =	sand.u32 $0x7000, s30  }
0x19e: {  	s24 =	sshrl.u32 s24, $0x2;
	s23 =	sand.u32 $0x70, s31;
	s22 =	simm.s32 $0x1BC80  }
0x19f: {  	s24 =	sor.u32 s23, s24;
	[tilespmem:s22+$0x0] =	vst v9  }
0x1a0: {  	v9 =	vld [tilespmem:s24+$0x1A480]  }
0x1a1: {  	s0 =	simm.s32 $0xC80;
	s23 =	simm.s32 $0x20;
	s24 =	simm.s32 $0x400  }
.LBB2_6:
0x1a2: {  	s25 =	sand.u32 $0x7000, s24;
	p0 =	sne.s32 s23, $0x2F0  }
0x1a3: {  	s26 =	smov.u32 s23;
	s23 =	sadd.s32 $0x10, s23;
	s22 =	sadd.s32 $0x10, s22  }
.Ltmp2:
0x1a4: {  	s26 =	sand.u32 $0x70, s26;
	s25 =	sshrl.u32 s25, $0x2;
	(pc) =	sbr.rel @p0 .LBB2_6-.Ltmp2, $3  }
0x1a5: {  	s25 =	sor.u32 s26, s25;
	[tilespmem:s22+$0x0] =	vst v9  }
0x1a6: {  	v9 =	vld [tilespmem:s25+$0x1A480];
	_ =	sdelay $0x1  }
0x1a7: {  	s24 =	sadd.s32 $0x200, s24  }
0x1a8: {  	_ = 	snop  }
0x1a9: {  	s22 =	sadd.s32 $0x10, s22;
	s29 =	rddreg [dreg:$0xb]  }
0x1aa: {  	s24 =	simm.s32 $0x80;
	s25 =	simm.s32 $0x400;
	s1 =	simm.s32 $0x1BC80;
	[tilespmem:s22+$0x0] =	vst v9  }
0x1ab: {  	[hbm4b:s29+s24] =	stream.strided.scatter [tilespmem:s1], [sflag:$0x3], $0x300, s25, s24, $0x38;
	[tilespmem:$0x1BF80] =	vst v63  }
0x1ac: {  	_ =	swait.ge [sflag:s17], $0x300  }
0x1ad: {  	[sflag:s17] =	ssyncset.done $0x0  }
0x1ae: {  	s30 =	simm.s32 $0x0;
	s23 =	rddreg [dreg:$0xc];
	[sflag:s17] =	ssyncadd.s32 $0xFFFFFD00  }
0x1af: {  	v9 =	vor.u32 s30, v1;
	[tilespmem:s30], [sflag:$0x3] =	stream.strided.gather [hbm4b:s23+s24], $0x800, s25, s24, $0x38;
	[tilespmem:$0x1BF80] =	vst v63  }
0x1b0: {  	v10 =	vor.u32 s30, v3;
	_ =	swait.ge [sflag:s17], $0x800  }
0x1b1: {  	[sflag:s17] =	ssyncset.done $0x0  }
0x1b2: {  	[sflag:s17] =	ssyncadd.s32 $0xFFFFF800  }
0x1b3: {  	[tilespmem:$0x800] =	vst v2  }
0x1b4: {  	v9 =	vld.idx.msk [tilespmem:v9+s3+$0x0], $0xffff  }
0x1b5: {  	v11 =	vld.idx.msk [tilespmem:v10+s3+$0x0], $0xffff  }
0x1b6: {  	s31 =	simm.s32 $0x1  }
0x1b7: {  	s23 =	simm.s32 $0x20;
	v10 =	vadd.s32 s31, v0  }
0x1b8: {  	s22 =	simm.s32 $0x11;
	s24 =	simm.s32 $0x21;
	v12 =	vor.u32 s23, v1  }
.LBB2_8:
0x1b9: {  	p0 =	sne.s32 s24, $0x3F1;
	v13 =	vor.u32 s23, v3;
	v9 =	vshll.u32 v9, $0x5  }
0x1ba: {  	v9 =	vadd.s32 v9, v11  }
0x1bb: {  	v9 =	vadd.s32 $0x1, v9  }
0x1bc: {  	[tilespmem:v10+s18+$0x0] =	vst.idx.msk $0xffff, v9  }
0x1bd: {  	v9 =	vld.idx.msk [tilespmem:v12+s3+$0x0], $0xffff  }
.Ltmp3:
0x1be: {  	v11 =	vld.idx.msk [tilespmem:v13+s3+$0x0], $0xffff;
	(pc) =	sbr.rel @p0 .LBB2_8-.Ltmp3, $3  }
0x1bf: {  	_ =	sdelay $0x1  }
0x1c0: {  	s23 =	sadd.s32 $0x20, s23;
	v10 =	vadd.s32 s22, v0;
	s22 =	smov.u32 s24  }
0x1c1: {  	s24 =	sadd.s32 $0x10, s24;
	v12 =	vor.u32 s23, v1  }
0x1c2: {  	_ = 	snop  }
0x1c3: {  	v13 =	vor.u32 s23, v3;
	v9 =	vshll.u32 v9, $0x5  }
0x1c4: {  	v9 =	vadd.s32 v9, v11  }
0x1c5: {  	v9 =	vadd.s32 $0x1, v9  }
0x1c6: {  	[tilespmem:v10+s18+$0x0] =	vst.idx.msk $0xffff, v9  }
0x1c7: {  	v9 =	vld.idx.msk [tilespmem:v12+s3+$0x0], $0xffff  }
0x1c8: {  	v10 =	vld.idx.msk [tilespmem:v13+s3+$0x0], $0xffff;
	_ =	sdelay $0x1  }
0x1c9: {  	v11 =	vadd.s32 s22, v0;
	_ =	sdelay $0x1  }
0x1ca: {  	v9 =	vshll.u32 v9, $0x5  }
0x1cb: {  	v9 =	vadd.s32 v9, v10  }
0x1cc: {  	v9 =	vadd.s32 $0x1, v9  }
0x1cd: {  	[tilespmem:v11+s18+$0x0] =	vst.idx.msk $0xffff, v9  }
0x1ce: {  	v9 =	vld [tilespmem:$0x800];
	_ =	sdelay $0x4  }
0x1cf: {  	v10 =	vshrl.u32 v9, $0x3  }
0x1d0: {  	s22 =	simm.s32 $0x0;
	v10 =	vmul.u32 $0x30, v10  }
0x1d1: {  	v11 =	vld.idx.msk [tilespmem:v4+s22+$0x0], $0xffff;
	v9 =	vand.u32 $0x7, v9  }
0x1d2: {  	v63 =	vld.idx.msk [tilespmem:v5+s22+$0x0], $0xffff;
	v9 =	vor.u32 v9, v10  }
0x1d3: {  	v10 =	vperm.xlane v9, v6;
	_ =	sdelay $0x1  }
0x1d4: {  	v10 =	vadd.s32 v7, v10  }
0x1d5: {  	v11 =	vshll.u32 v11, $0x5  }
0x1d6: {  	v11 =	vadd.s32 v11, v63  }
0x1d7: {  	v11 =	vadd.s32 $0x1, v11  }
0x1d8: {  	[tilespmem:$0xC00] =	vst v11;
	v9 =	vperm.xlane v9, v8  }
0x1d9: {  	[tilespmem:s0], [sflag:$0x1] =	stream.indirect_vreg.gather [hbm4b:s2+s22], $0x80, v10, vm0, $0xb8;
	[tilespmem:$0x1BF80] =	vst v63  }
0x1da: {  	s11 =	simm.s32 $0x1480;
	v9 =	vadd.s32 v7, v9  }
0x1db: {  	[tilespmem:s11], [sflag:$0x1] =	stream.indirect_vreg.gather [hbm4b:s5+s22], $0x80, v10, vm0, $0xb8;
	[tilespmem:$0x1BF80] =	vst v63  }
0x1dc: {  	s12 =	simm.s32 $0x1C80  }
0x1dd: {  	[tilespmem:s12], [sflag:$0x1] =	stream.indirect_vreg.gather [hbm4b:s6+s22], $0x80, v10, vm0, $0xb8;
	[tilespmem:$0x1BF80] =	vst v63  }
0x1de: {  	s13 =	simm.s32 $0x2480  }
0x1df: {  	[tilespmem:s13], [sflag:$0x1] =	stream.indirect_vreg.gather [hbm4b:s2+s22], $0x80, v9, vm0, $0xb8;
	[tilespmem:$0x1BF80] =	vst v63  }
0x1e0: {  	s14 =	simm.s32 $0x2C80  }
0x1e1: {  	[tilespmem:s14], [sflag:$0x1] =	stream.indirect_vreg.gather [hbm4b:s5+s22], $0x80, v9, vm0, $0xb8;
	[tilespmem:$0x1BF80] =	vst v63  }
0x1e2: {  	s15 =	simm.s32 $0x3480  }
0x1e3: {  	[tilespmem:s15], [sflag:$0x1] =	stream.indirect_vreg.gather [hbm4b:s6+s22], $0x80, v9, vm0, $0xb8;
	[tilespmem:$0x1BF80] =	vst v63  }
0x1e4: {  	v9 =	vld [tilespmem:$0x810];
	_ =	sdelay $0x4  }
0x1e5: {  	v10 =	vshrl.u32 v9, $0x3  }
0x1e6: {  	v10 =	vmul.u32 $0x30, v10  }
0x1e7: {  	v9 =	vand.u32 $0x7, v9  }
0x1e8: {  	v9 =	vor.u32 v9, v10  }
0x1e9: {  	v10 =	vperm.xlane v9, v6;
	_ =	sdelay $0x1  }
0x1ea: {  	v10 =	vadd.s32 v7, v10;
	_ =	sdelay $0x3  }
0x1eb: {  	s16 =	simm.s32 $0x3C80;
	v9 =	vperm.xlane v9, v8  }
0x1ec: {  	[tilespmem:s16], [sflag:$0x1] =	stream.indirect_vreg.gather [hbm4b:s2+s22], $0x80, v10, vm0, $0xb8;
	[tilespmem:$0x1BF80] =	vst v63  }
0x1ed: {  	s19 =	simm.s32 $0x4480;
	v9 =	vadd.s32 v7, v9  }
0x1ee: {  	[tilespmem:s19], [sflag:$0x1] =	stream.indirect_vreg.gather [hbm4b:s5+s22], $0x80, v10, vm0, $0xb8;
	[tilespmem:$0x1BF80] =	vst v63  }
0x1ef: {  	s23 =	simm.s32 $0x4C80  }
0x1f0: {  	[tilespmem:s23], [sflag:$0x1] =	stream.indirect_vreg.gather [hbm4b:s6+s22], $0x80, v10, vm0, $0xb8;
	[tilespmem:$0x1BF80] =	vst v63  }
0x1f1: {  	s24 =	simm.s32 $0x5480  }
0x1f2: {  	[tilespmem:s24], [sflag:$0x1] =	stream.indirect_vreg.gather [hbm4b:s2+s22], $0x80, v9, vm0, $0xb8;
	[tilespmem:$0x1BF80] =	vst v63  }
0x1f3: {  	s25 =	simm.s32 $0x5C80  }
0x1f4: {  	[tilespmem:s25], [sflag:$0x1] =	stream.indirect_vreg.gather [hbm4b:s5+s22], $0x80, v9, vm0, $0xb8;
	[tilespmem:$0x1BF80] =	vst v63  }
0x1f5: {  	s26 =	simm.s32 $0x6480  }
0x1f6: {  	[tilespmem:s26], [sflag:$0x1] =	stream.indirect_vreg.gather [hbm4b:s6+s22], $0x80, v9, vm0, $0xb8;
	[tilespmem:$0x1BF80] =	vst v63  }
0x1f7: {  	v9 =	vld [tilespmem:$0x820];
	_ =	sdelay $0x4  }
0x1f8: {  	v10 =	vshrl.u32 v9, $0x3  }
0x1f9: {  	v10 =	vmul.u32 $0x30, v10  }
0x1fa: {  	v9 =	vand.u32 $0x7, v9  }
0x1fb: {  	v9 =	vor.u32 v9, v10  }
0x1fc: {  	v10 =	vperm.xlane v9, v6;
	_ =	sdelay $0x1  }
0x1fd: {  	v10 =	vadd.s32 v7, v10;
	_ =	sdelay $0x3  }
0x1fe: {  	s9 =	simm.s32 $0x6C80;
	v9 =	vperm.xlane v9, v8  }
0x1ff: {  	[tilespmem:s9], [sflag:$0x1] =	stream.indirect_vreg.gather [hbm4b:s2+s22], $0x80, v10, vm0, $0xb8;
	[tilespmem:$0x1BF80] =	vst v63  }
0x200: {  	s10 =	simm.s32 $0x7480;
	v9 =	vadd.s32 v7, v9  }
0x201: {  	[tilespmem:s10], [sflag:$0x1] =	stream.indirect_vreg.gather [hbm4b:s5+s22], $0x80, v10, vm0, $0xb8;
	[tilespmem:$0x1BF80] =	vst v63  }
0x202: {  	s11 =	simm.s32 $0x7C80  }
0x203: {  	[tilespmem:s11], [sflag:$0x1] =	stream.indirect_vreg.gather [hbm4b:s6+s22], $0x80, v10, vm0, $0xb8;
	[tilespmem:$0x1BF80] =	vst v63  }
0x204: {  	s12 =	simm.s32 $0x8480  }
0x205: {  	[tilespmem:s12], [sflag:$0x1] =	stream.indirect_vreg.gather [hbm4b:s2+s22], $0x80, v9, vm0, $0xb8;
	[tilespmem:$0x1BF80] =	vst v63  }
0x206: {  	s13 =	simm.s32 $0x8C80  }
0x207: {  	[tilespmem:s13], [sflag:$0x1] =	stream.indirect_vreg.gather [hbm4b:s5+s22], $0x80, v9, vm0, $0xb8;
	[tilespmem:$0x1BF80] =	vst v63  }
0x208: {  	s14 =	simm.s32 $0x9480  }
0x209: {  	[tilespmem:s14], [sflag:$0x1] =	stream.indirect_vreg.gather [hbm4b:s6+s22], $0x80, v9, vm0, $0xb8;
	[tilespmem:$0x1BF80] =	vst v63  }
0x20a: {  	v9 =	vld [tilespmem:$0x830];
	_ =	sdelay $0x4  }
0x20b: {  	v10 =	vshrl.u32 v9, $0x3  }
0x20c: {  	v10 =	vmul.u32 $0x30, v10  }
0x20d: {  	v9 =	vand.u32 $0x7, v9  }
0x20e: {  	v9 =	vor.u32 v9, v10  }
0x20f: {  	v10 =	vperm.xlane v9, v6;
	_ =	sdelay $0x1  }
0x210: {  	v10 =	vadd.s32 v7, v10;
	_ =	sdelay $0x3  }
0x211: {  	s15 =	simm.s32 $0x9C80;
	v9 =	vperm.xlane v9, v8  }
0x212: {  	[tilespmem:s15], [sflag:$0x1] =	stream.indirect_vreg.gather [hbm4b:s2+s22], $0x80, v10, vm0, $0xb8;
	[tilespmem:$0x1BF80] =	vst v63  }
0x213: {  	s28 =	simm.s32 $0xB480;
	s19 =	simm.s32 $0xA480;
	v9 =	vadd.s32 v7, v9  }
0x214: {  	[tilespmem:s19], [sflag:$0x1] =	stream.indirect_vreg.gather [hbm4b:s5+s22], $0x80, v10, vm0, $0xb8;
	[tilespmem:$0x1BF80] =	vst v63  }
0x215: {  	s29 =	simm.s32 $0xBC80;
	s30 =	simm.s32 $0xC480;
	s26 =	simm.s32 $0xAC80  }
0x216: {  	[tilespmem:s26], [sflag:$0x1] =	stream.indirect_vreg.gather [hbm4b:s6+s22], $0x80, v10, vm0, $0xb8;
	[tilespmem:$0x1BF80] =	vst v63  }
0x217: {  	s31 =	simm.s32 $0xEC80;
	s1 =	simm.s32 $0xF480;
	s4 =	simm.s32 $0x10480  }
0x218: {  	[tilespmem:s28], [sflag:$0x1] =	stream.indirect_vreg.gather [hbm4b:s2+s22], $0x80, v9, vm0, $0xb8;
	[tilespmem:$0x1BF80] =	vst v63  }
0x219: {  	s7 =	simm.s32 $0x10C80;
	s8 =	simm.s32 $0x11480;
	s0 =	simm.s32 $0xFC80  }
0x21a: {  	[tilespmem:s29], [sflag:$0x1] =	stream.indirect_vreg.gather [hbm4b:s5+s22], $0x80, v9, vm0, $0xb8;
	[tilespmem:$0x1BF80] =	vst v63  }
0x21b: {  	s16 =	simm.s32 $0xC80;
	s23 =	simm.s32 $0x860;
	s25 =	simm.s32 $0xE480  }
0x21c: {  	[tilespmem:s30], [sflag:$0x1] =	stream.indirect_vreg.gather [hbm4b:s6+s22], $0x80, v9, vm0, $0xb8;
	[tilespmem:$0x1BF80] =	vst v63  }
.LBB2_10:
0x21d: {  	v9 =	vld [tilespmem:s23+$0xFFFFFFE0];
	_ =	sdelay $0x4  }
0x21e: {  	v10 =	vshrl.u32 v9, $0x3  }
0x21f: {  	v10 =	vmul.u32 $0x30, v10  }
0x220: {  	v9 =	vand.u32 $0x7, v9  }
0x221: {  	v9 =	vor.u32 v9, v10  }
0x222: {  	v10 =	vperm.xlane v9, v6;
	_ =	sdelay $0x1  }
0x223: {  	v10 =	vadd.s32 v7, v10;
	_ =	sdelay $0x3  }
0x224: {  	v9 =	vperm.xlane v9, v8  }
0x225: {  	[tilespmem:s25], [sflag:$0x2] =	stream.indirect_vreg.gather [hbm4b:s2+s3], $0x80, v10, vm0, $0xb8;
	[tilespmem:$0x1BF80] =	vst v63  }
0x226: {  	v9 =	vadd.s32 v7, v9  }
0x227: {  	[tilespmem:s31], [sflag:$0x2] =	stream.indirect_vreg.gather [hbm4b:s5+s3], $0x80, v10, vm0, $0xb8;
	[tilespmem:$0x1BF80] =	vst v63  }
0x228: {  	_ = 	snop  }
0x229: {  	[tilespmem:s1], [sflag:$0x2] =	stream.indirect_vreg.gather [hbm4b:s6+s3], $0x80, v10, vm0, $0xb8;
	[tilespmem:$0x1BF80] =	vst v63  }
0x22a: {  	_ = 	snop  }
0x22b: {  	[tilespmem:s0], [sflag:$0x2] =	stream.indirect_vreg.gather [hbm4b:s2+s3], $0x80, v9, vm0, $0xb8;
	[tilespmem:$0x1BF80] =	vst v63  }
0x22c: {  	_ = 	snop  }
0x22d: {  	[tilespmem:s4], [sflag:$0x2] =	stream.indirect_vreg.gather [hbm4b:s5+s3], $0x80, v9, vm0, $0xb8;
	[tilespmem:$0x1BF80] =	vst v63  }
0x22e: {  	_ = 	snop  }
0x22f: {  	[tilespmem:s7], [sflag:$0x2] =	stream.indirect_vreg.gather [hbm4b:s6+s3], $0x80, v9, vm0, $0xb8;
	[tilespmem:$0x1BF80] =	vst v63  }
0x230: {  	v9 =	vld [tilespmem:s23+$0xFFFFFFF0];
	_ =	sdelay $0x4  }
0x231: {  	v10 =	vshrl.u32 v9, $0x3  }
0x232: {  	v10 =	vmul.u32 $0x30, v10  }
0x233: {  	v9 =	vand.u32 $0x7, v9  }
0x234: {  	v9 =	vor.u32 v9, v10  }
0x235: {  	v10 =	vperm.xlane v9, v6;
	_ =	sdelay $0x1  }
0x236: {  	v10 =	vadd.s32 v7, v10;
	_ =	sdelay $0x3  }
0x237: {  	v9 =	vperm.xlane v9, v8  }
0x238: {  	[tilespmem:s8], [sflag:$0x2] =	stream.indirect_vreg.gather [hbm4b:s2+s3], $0x80, v10, vm0, $0xb8;
	[tilespmem:$0x1BF80] =	vst v63  }
0x239: {  	s24 =	simm.s32 $0x11C80;
	v9 =	vadd.s32 v7, v9  }
0x23a: {  	[tilespmem:s24], [sflag:$0x2] =	stream.indirect_vreg.gather [hbm4b:s5+s3], $0x80, v10, vm0, $0xb8;
	[tilespmem:$0x1BF80] =	vst v63  }
0x23b: {  	s24 =	simm.s32 $0x12480  }
0x23c: {  	[tilespmem:s24], [sflag:$0x2] =	stream.indirect_vreg.gather [hbm4b:s6+s3], $0x80, v10, vm0, $0xb8;
	[tilespmem:$0x1BF80] =	vst v63  }
0x23d: {  	s24 =	simm.s32 $0x12C80  }
0x23e: {  	[tilespmem:s24], [sflag:$0x2] =	stream.indirect_vreg.gather [hbm4b:s2+s3], $0x80, v9, vm0, $0xb8;
	[tilespmem:$0x1BF80] =	vst v63  }
0x23f: {  	s24 =	simm.s32 $0x13480  }
0x240: {  	[tilespmem:s24], [sflag:$0x2] =	stream.indirect_vreg.gather [hbm4b:s5+s3], $0x80, v9, vm0, $0xb8;
	[tilespmem:$0x1BF80] =	vst v63  }
0x241: {  	s24 =	simm.s32 $0x13C80  }
0x242: {  	[tilespmem:s24], [sflag:$0x2] =	stream.indirect_vreg.gather [hbm4b:s6+s3], $0x80, v9, vm0, $0xb8;
	[tilespmem:$0x1BF80] =	vst v63  }
0x243: {  	v9 =	vld [tilespmem:s23+$0x0];
	_ =	sdelay $0x4  }
0x244: {  	v10 =	vshrl.u32 v9, $0x3  }
0x245: {  	v10 =	vmul.u32 $0x30, v10  }
0x246: {  	v9 =	vand.u32 $0x7, v9  }
0x247: {  	v9 =	vor.u32 v9, v10  }
0x248: {  	v10 =	vperm.xlane v9, v6;
	_ =	sdelay $0x1  }
0x249: {  	v10 =	vadd.s32 v7, v10;
	_ =	sdelay $0x3  }
0x24a: {  	s24 =	simm.s32 $0x14480;
	v9 =	vperm.xlane v9, v8  }
0x24b: {  	[tilespmem:s24], [sflag:$0x2] =	stream.indirect_vreg.gather [hbm4b:s2+s3], $0x80, v10, vm0, $0xb8;
	[tilespmem:$0x1BF80] =	vst v63  }
0x24c: {  	v9 =	vadd.s32 v7, v9;
	s24 =	simm.s32 $0x14C80  }
0x24d: {  	[tilespmem:s24], [sflag:$0x2] =	stream.indirect_vreg.gather [hbm4b:s5+s3], $0x80, v10, vm0, $0xb8;
	[tilespmem:$0x1BF80] =	vst v63  }
0x24e: {  	s24 =	simm.s32 $0x15480  }
0x24f: {  	[tilespmem:s24], [sflag:$0x2] =	stream.indirect_vreg.gather [hbm4b:s6+s3], $0x80, v10, vm0, $0xb8;
	[tilespmem:$0x1BF80] =	vst v63  }
0x250: {  	s24 =	simm.s32 $0x15C80  }
0x251: {  	[tilespmem:s24], [sflag:$0x2] =	stream.indirect_vreg.gather [hbm4b:s2+s3], $0x80, v9, vm0, $0xb8;
	[tilespmem:$0x1BF80] =	vst v63  }
0x252: {  	s24 =	simm.s32 $0x16480  }
0x253: {  	[tilespmem:s24], [sflag:$0x2] =	stream.indirect_vreg.gather [hbm4b:s5+s3], $0x80, v9, vm0, $0xb8;
	[tilespmem:$0x1BF80] =	vst v63  }
0x254: {  	s24 =	simm.s32 $0x16C80  }
0x255: {  	[tilespmem:s24], [sflag:$0x2] =	stream.indirect_vreg.gather [hbm4b:s6+s3], $0x80, v9, vm0, $0xb8;
	[tilespmem:$0x1BF80] =	vst v63  }
0x256: {  	v9 =	vld [tilespmem:s23+$0x10];
	_ =	sdelay $0x4  }
0x257: {  	v10 =	vshrl.u32 v9, $0x3  }
0x258: {  	v10 =	vmul.u32 $0x30, v10  }
0x259: {  	v9 =	vand.u32 $0x7, v9  }
0x25a: {  	v9 =	vor.u32 v9, v10  }
0x25b: {  	v10 =	vperm.xlane v9, v6;
	_ =	sdelay $0x1  }
0x25c: {  	v10 =	vadd.s32 v7, v10;
	_ =	sdelay $0x3  }
0x25d: {  	s24 =	simm.s32 $0x17480;
	v9 =	vperm.xlane v9, v8  }
0x25e: {  	[tilespmem:s24], [sflag:$0x2] =	stream.indirect_vreg.gather [hbm4b:s2+s3], $0x80, v10, vm0, $0xb8;
	[tilespmem:$0x1BF80] =	vst v63  }
0x25f: {  	v9 =	vadd.s32 v7, v9;
	s24 =	simm.s32 $0x17C80  }
0x260: {  	[tilespmem:s24], [sflag:$0x2] =	stream.indirect_vreg.gather [hbm4b:s5+s3], $0x80, v10, vm0, $0xb8;
	[tilespmem:$0x1BF80] =	vst v63  }
0x261: {  	s24 =	simm.s32 $0x18480  }
0x262: {  	[tilespmem:s24], [sflag:$0x2] =	stream.indirect_vreg.gather [hbm4b:s6+s3], $0x80, v10, vm0, $0xb8;
	[tilespmem:$0x1BF80] =	vst v63  }
0x263: {  	s24 =	simm.s32 $0x18C80  }
0x264: {  	[tilespmem:s24], [sflag:$0x2] =	stream.indirect_vreg.gather [hbm4b:s2+s3], $0x80, v9, vm0, $0xb8;
	[tilespmem:$0x1BF80] =	vst v63  }
0x265: {  	s24 =	simm.s32 $0x19480  }
0x266: {  	[tilespmem:s24], [sflag:$0x2] =	stream.indirect_vreg.gather [hbm4b:s5+s3], $0x80, v9, vm0, $0xb8;
	[tilespmem:$0x1BF80] =	vst v63  }
0x267: {  	s24 =	simm.s32 $0x19C80  }
0x268: {  	[tilespmem:s24], [sflag:$0x2] =	stream.indirect_vreg.gather [hbm4b:s6+s3], $0x80, v9, vm0, $0xb8;
	[tilespmem:$0x1BF80] =	vst v63  }
0x269: {  	_ =	swait.ge [sflag:s20], $0xC000  }
0x26a: {  	s24 =	rddreg [dreg:$0x6];
	[sflag:s20] =	ssyncset.done $0x0  }
0x26b: {  	[sflag:s20] =	ssyncadd.s32 $0xFFFF4000;
	s24 =	sadd.s32 s22, s24  }
0x26c: {  	[hbm4b:s24+s3] =	stream.linear.scatter [tilespmem:s16], [sflag:$0x3], $0xC000, $0x38;
	[tilespmem:$0x1BF80] =	vst v63  }
0x26d: {  	_ =	swait.ge [sflag:s17], $0xC000  }
0x26e: {  	[sflag:s17] =	ssyncset.done $0x0  }
0x26f: {  	[sflag:s17] =	ssyncadd.s32 $0xFFFF4000  }
0x270: {  	v9 =	vld [tilespmem:s23+$0x20];
	_ =	sdelay $0x4  }
0x271: {  	v10 =	vshrl.u32 v9, $0x3  }
0x272: {  	v10 =	vmul.u32 $0x30, v10  }
0x273: {  	v9 =	vand.u32 $0x7, v9  }
0x274: {  	v9 =	vor.u32 v9, v10  }
0x275: {  	v10 =	vperm.xlane v9, v6;
	_ =	sdelay $0x1  }
0x276: {  	v10 =	vadd.s32 v7, v10;
	_ =	sdelay $0x3  }
0x277: {  	v9 =	vperm.xlane v9, v8  }
0x278: {  	[tilespmem:s16], [sflag:$0x1] =	stream.indirect_vreg.gather [hbm4b:s2+s3], $0x80, v10, vm0, $0xb8;
	[tilespmem:$0x1BF80] =	vst v63  }
0x279: {  	s24 =	simm.s32 $0x1480;
	v9 =	vadd.s32 v7, v9  }
0x27a: {  	[tilespmem:s24], [sflag:$0x1] =	stream.indirect_vreg.gather [hbm4b:s5+s3], $0x80, v10, vm0, $0xb8;
	[tilespmem:$0x1BF80] =	vst v63  }
0x27b: {  	s24 =	simm.s32 $0x1C80  }
0x27c: {  	[tilespmem:s24], [sflag:$0x1] =	stream.indirect_vreg.gather [hbm4b:s6+s3], $0x80, v10, vm0, $0xb8;
	[tilespmem:$0x1BF80] =	vst v63  }
0x27d: {  	s24 =	simm.s32 $0x2480  }
0x27e: {  	[tilespmem:s24], [sflag:$0x1] =	stream.indirect_vreg.gather [hbm4b:s2+s3], $0x80, v9, vm0, $0xb8;
	[tilespmem:$0x1BF80] =	vst v63  }
0x27f: {  	s24 =	simm.s32 $0x2C80  }
0x280: {  	[tilespmem:s24], [sflag:$0x1] =	stream.indirect_vreg.gather [hbm4b:s5+s3], $0x80, v9, vm0, $0xb8;
	[tilespmem:$0x1BF80] =	vst v63  }
0x281: {  	s24 =	simm.s32 $0x3480  }
0x282: {  	[tilespmem:s24], [sflag:$0x1] =	stream.indirect_vreg.gather [hbm4b:s6+s3], $0x80, v9, vm0, $0xb8;
	[tilespmem:$0x1BF80] =	vst v63  }
0x283: {  	v9 =	vld [tilespmem:s23+$0x30];
	_ =	sdelay $0x4  }
0x284: {  	v10 =	vshrl.u32 v9, $0x3  }
0x285: {  	v10 =	vmul.u32 $0x30, v10  }
0x286: {  	v9 =	vand.u32 $0x7, v9  }
0x287: {  	v9 =	vor.u32 v9, v10  }
0x288: {  	v10 =	vperm.xlane v9, v6;
	_ =	sdelay $0x1  }
0x289: {  	v10 =	vadd.s32 v7, v10;
	_ =	sdelay $0x3  }
0x28a: {  	s24 =	simm.s32 $0x3C80;
	v9 =	vperm.xlane v9, v8  }
0x28b: {  	[tilespmem:s24], [sflag:$0x1] =	stream.indirect_vreg.gather [hbm4b:s2+s3], $0x80, v10, vm0, $0xb8;
	[tilespmem:$0x1BF80] =	vst v63  }
0x28c: {  	v9 =	vadd.s32 v7, v9;
	s24 =	simm.s32 $0x4480  }
0x28d: {  	[tilespmem:s24], [sflag:$0x1] =	stream.indirect_vreg.gather [hbm4b:s5+s3], $0x80, v10, vm0, $0xb8;
	[tilespmem:$0x1BF80] =	vst v63  }
0x28e: {  	s24 =	simm.s32 $0x4C80  }
0x28f: {  	[tilespmem:s24], [sflag:$0x1] =	stream.indirect_vreg.gather [hbm4b:s6+s3], $0x80, v10, vm0, $0xb8;
	[tilespmem:$0x1BF80] =	vst v63  }
0x290: {  	s24 =	simm.s32 $0x5480  }
0x291: {  	[tilespmem:s24], [sflag:$0x1] =	stream.indirect_vreg.gather [hbm4b:s2+s3], $0x80, v9, vm0, $0xb8;
	[tilespmem:$0x1BF80] =	vst v63  }
0x292: {  	s24 =	simm.s32 $0x5C80  }
0x293: {  	[tilespmem:s24], [sflag:$0x1] =	stream.indirect_vreg.gather [hbm4b:s5+s3], $0x80, v9, vm0, $0xb8;
	[tilespmem:$0x1BF80] =	vst v63  }
0x294: {  	s24 =	simm.s32 $0x6480  }
0x295: {  	[tilespmem:s24], [sflag:$0x1] =	stream.indirect_vreg.gather [hbm4b:s6+s3], $0x80, v9, vm0, $0xb8;
	[tilespmem:$0x1BF80] =	vst v63  }
0x296: {  	v9 =	vld [tilespmem:s23+$0x40];
	_ =	sdelay $0x4  }
0x297: {  	v10 =	vshrl.u32 v9, $0x3  }
0x298: {  	v10 =	vmul.u32 $0x30, v10  }
0x299: {  	v9 =	vand.u32 $0x7, v9  }
0x29a: {  	v9 =	vor.u32 v9, v10  }
0x29b: {  	v10 =	vperm.xlane v9, v6;
	_ =	sdelay $0x1  }
0x29c: {  	v10 =	vadd.s32 v7, v10;
	_ =	sdelay $0x3  }
0x29d: {  	v9 =	vperm.xlane v9, v8  }
0x29e: {  	[tilespmem:s9], [sflag:$0x1] =	stream.indirect_vreg.gather [hbm4b:s2+s3], $0x80, v10, vm0, $0xb8;
	[tilespmem:$0x1BF80] =	vst v63  }
0x29f: {  	v9 =	vadd.s32 v7, v9  }
0x2a0: {  	[tilespmem:s10], [sflag:$0x1] =	stream.indirect_vreg.gather [hbm4b:s5+s3], $0x80, v10, vm0, $0xb8;
	[tilespmem:$0x1BF80] =	vst v63  }
0x2a1: {  	_ = 	snop  }
0x2a2: {  	[tilespmem:s11], [sflag:$0x1] =	stream.indirect_vreg.gather [hbm4b:s6+s3], $0x80, v10, vm0, $0xb8;
	[tilespmem:$0x1BF80] =	vst v63  }
0x2a3: {  	_ = 	snop  }
0x2a4: {  	[tilespmem:s12], [sflag:$0x1] =	stream.indirect_vreg.gather [hbm4b:s2+s3], $0x80, v9, vm0, $0xb8;
	[tilespmem:$0x1BF80] =	vst v63  }
0x2a5: {  	_ = 	snop  }
0x2a6: {  	[tilespmem:s13], [sflag:$0x1] =	stream.indirect_vreg.gather [hbm4b:s5+s3], $0x80, v9, vm0, $0xb8;
	[tilespmem:$0x1BF80] =	vst v63  }
0x2a7: {  	_ = 	snop  }
0x2a8: {  	[tilespmem:s14], [sflag:$0x1] =	stream.indirect_vreg.gather [hbm4b:s6+s3], $0x80, v9, vm0, $0xb8;
	[tilespmem:$0x1BF80] =	vst v63  }
0x2a9: {  	v9 =	vld [tilespmem:s23+$0x50];
	_ =	sdelay $0x4  }
0x2aa: {  	v10 =	vshrl.u32 v9, $0x3  }
0x2ab: {  	v10 =	vmul.u32 $0x30, v10  }
0x2ac: {  	v9 =	vand.u32 $0x7, v9  }
0x2ad: {  	v9 =	vor.u32 v9, v10  }
0x2ae: {  	v10 =	vperm.xlane v9, v6;
	_ =	sdelay $0x1  }
0x2af: {  	v10 =	vadd.s32 v7, v10;
	_ =	sdelay $0x3  }
0x2b0: {  	v9 =	vperm.xlane v9, v8  }
0x2b1: {  	[tilespmem:s15], [sflag:$0x1] =	stream.indirect_vreg.gather [hbm4b:s2+s3], $0x80, v10, vm0, $0xb8;
	[tilespmem:$0x1BF80] =	vst v63  }
0x2b2: {  	v9 =	vadd.s32 v7, v9  }
0x2b3: {  	[tilespmem:s19], [sflag:$0x1] =	stream.indirect_vreg.gather [hbm4b:s5+s3], $0x80, v10, vm0, $0xb8;
	[tilespmem:$0x1BF80] =	vst v63  }
0x2b4: {  	_ = 	snop  }
0x2b5: {  	[tilespmem:s26], [sflag:$0x1] =	stream.indirect_vreg.gather [hbm4b:s6+s3], $0x80, v10, vm0, $0xb8;
	[tilespmem:$0x1BF80] =	vst v63  }
0x2b6: {  	_ = 	snop  }
0x2b7: {  	[tilespmem:s28], [sflag:$0x1] =	stream.indirect_vreg.gather [hbm4b:s2+s3], $0x80, v9, vm0, $0xb8;
	[tilespmem:$0x1BF80] =	vst v63  }
0x2b8: {  	_ = 	snop  }
0x2b9: {  	[tilespmem:s29], [sflag:$0x1] =	stream.indirect_vreg.gather [hbm4b:s5+s3], $0x80, v9, vm0, $0xb8;
	[tilespmem:$0x1BF80] =	vst v63  }
0x2ba: {  	_ = 	snop  }
0x2bb: {  	[tilespmem:s30], [sflag:$0x1] =	stream.indirect_vreg.gather [hbm4b:s6+s3], $0x80, v9, vm0, $0xb8;
	[tilespmem:$0x1BF80] =	vst v63  }
0x2bc: {  	_ =	swait.ge [sflag:s21], $0xC000  }
0x2bd: {  	p0 =	sne.s32 s22, $0x12000;
	s24 =	rddreg [dreg:$0x7];
	[sflag:s21] =	ssyncset.done $0x0  }
.Ltmp4:
0x2be: {  	[sflag:s21] =	ssyncadd.s32 $0xFFFF4000;
	s24 =	sadd.s32 s22, s24;
	(pc) =	sbr.rel @p0 .LBB2_10-.Ltmp4, $4  }
0x2bf: {  	[hbm4b:s24+s3] =	stream.linear.scatter [tilespmem:s25], [sflag:$0x3], $0xC000, $0x38;
	[tilespmem:$0x1BF80] =	vst v63  }
0x2c0: {  	_ =	swait.ge [sflag:s17], $0xC000  }
0x2c1: {  	[sflag:s17] =	ssyncset.done $0x0  }
0x2c2: {  	s23 =	sadd.s32 $0x80, s23;
	s22 =	sadd.s32 $0x3000, s22;
	[sflag:s17] =	ssyncadd.s32 $0xFFFF4000  }
0x2c3: {  	v9 =	vld [tilespmem:$0xBC0];
	_ =	sdelay $0x4  }
0x2c4: {  	v10 =	vshrl.u32 v9, $0x3  }
0x2c5: {  	v10 =	vmul.u32 $0x30, v10  }
0x2c6: {  	v9 =	vand.u32 $0x7, v9  }
0x2c7: {  	v9 =	vor.u32 v9, v10  }
0x2c8: {  	v10 =	vperm.xlane v9, v6;
	_ =	sdelay $0x1  }
0x2c9: {  	v10 =	vadd.s32 v7, v10;
	_ =	sdelay $0x3  }
0x2ca: {  	s22 =	simm.s32 $0x0;
	v9 =	vperm.xlane v9, v8  }
0x2cb: {  	[tilespmem:s25], [sflag:$0x2] =	stream.indirect_vreg.gather [hbm4b:s2+s22], $0x80, v10, vm0, $0xb8;
	[tilespmem:$0x1BF80] =	vst v63  }
0x2cc: {  	v9 =	vadd.s32 v7, v9  }
0x2cd: {  	[tilespmem:s31], [sflag:$0x2] =	stream.indirect_vreg.gather [hbm4b:s5+s22], $0x80, v10, vm0, $0xb8;
	[tilespmem:$0x1BF80] =	vst v63  }
0x2ce: {  	_ = 	snop  }
0x2cf: {  	[tilespmem:s1], [sflag:$0x2] =	stream.indirect_vreg.gather [hbm4b:s6+s22], $0x80, v10, vm0, $0xb8;
	[tilespmem:$0x1BF80] =	vst v63  }
0x2d0: {  	_ = 	snop  }
0x2d1: {  	[tilespmem:s0], [sflag:$0x2] =	stream.indirect_vreg.gather [hbm4b:s2+s22], $0x80, v9, vm0, $0xb8;
	[tilespmem:$0x1BF80] =	vst v63  }
0x2d2: {  	_ = 	snop  }
0x2d3: {  	[tilespmem:s4], [sflag:$0x2] =	stream.indirect_vreg.gather [hbm4b:s5+s22], $0x80, v9, vm0, $0xb8;
	[tilespmem:$0x1BF80] =	vst v63  }
0x2d4: {  	_ = 	snop  }
0x2d5: {  	[tilespmem:s7], [sflag:$0x2] =	stream.indirect_vreg.gather [hbm4b:s6+s22], $0x80, v9, vm0, $0xb8;
	[tilespmem:$0x1BF80] =	vst v63  }
0x2d6: {  	v9 =	vld [tilespmem:$0xBD0];
	_ =	sdelay $0x4  }
0x2d7: {  	v10 =	vshrl.u32 v9, $0x3  }
0x2d8: {  	v10 =	vmul.u32 $0x30, v10  }
0x2d9: {  	v9 =	vand.u32 $0x7, v9  }
0x2da: {  	v9 =	vor.u32 v9, v10  }
0x2db: {  	v10 =	vperm.xlane v9, v6;
	_ =	sdelay $0x1  }
0x2dc: {  	v10 =	vadd.s32 v7, v10;
	_ =	sdelay $0x3  }
0x2dd: {  	v9 =	vperm.xlane v9, v8  }
0x2de: {  	[tilespmem:s8], [sflag:$0x2] =	stream.indirect_vreg.gather [hbm4b:s2+s22], $0x80, v10, vm0, $0xb8;
	[tilespmem:$0x1BF80] =	vst v63  }
0x2df: {  	s26 =	simm.s32 $0x11C80;
	v9 =	vadd.s32 v7, v9  }
0x2e0: {  	[tilespmem:s26], [sflag:$0x2] =	stream.indirect_vreg.gather [hbm4b:s5+s22], $0x80, v10, vm0, $0xb8;
	[tilespmem:$0x1BF80] =	vst v63  }
0x2e1: {  	s28 =	simm.s32 $0x12480  }
0x2e2: {  	[tilespmem:s28], [sflag:$0x2] =	stream.indirect_vreg.gather [hbm4b:s6+s22], $0x80, v10, vm0, $0xb8;
	[tilespmem:$0x1BF80] =	vst v63  }
0x2e3: {  	s29 =	simm.s32 $0x12C80  }
0x2e4: {  	[tilespmem:s29], [sflag:$0x2] =	stream.indirect_vreg.gather [hbm4b:s2+s22], $0x80, v9, vm0, $0xb8;
	[tilespmem:$0x1BF80] =	vst v63  }
0x2e5: {  	s30 =	simm.s32 $0x13480  }
0x2e6: {  	[tilespmem:s30], [sflag:$0x2] =	stream.indirect_vreg.gather [hbm4b:s5+s22], $0x80, v9, vm0, $0xb8;
	[tilespmem:$0x1BF80] =	vst v63  }
0x2e7: {  	s31 =	simm.s32 $0x13C80  }
0x2e8: {  	[tilespmem:s31], [sflag:$0x2] =	stream.indirect_vreg.gather [hbm4b:s6+s22], $0x80, v9, vm0, $0xb8;
	[tilespmem:$0x1BF80] =	vst v63  }
0x2e9: {  	v9 =	vld [tilespmem:$0xBE0];
	_ =	sdelay $0x4  }
0x2ea: {  	v10 =	vshrl.u32 v9, $0x3  }
0x2eb: {  	v10 =	vmul.u32 $0x30, v10  }
0x2ec: {  	v9 =	vand.u32 $0x7, v9  }
0x2ed: {  	v9 =	vor.u32 v9, v10  }
0x2ee: {  	v10 =	vperm.xlane v9, v6;
	_ =	sdelay $0x1  }
0x2ef: {  	v10 =	vadd.s32 v7, v10;
	_ =	sdelay $0x3  }
0x2f0: {  	s1 =	simm.s32 $0x14480;
	v9 =	vperm.xlane v9, v8  }
0x2f1: {  	[tilespmem:s1], [sflag:$0x2] =	stream.indirect_vreg.gather [hbm4b:s2+s22], $0x80, v10, vm0, $0xb8;
	[tilespmem:$0x1BF80] =	vst v63  }
0x2f2: {  	s4 =	simm.s32 $0x14C80;
	v9 =	vadd.s32 v7, v9  }
0x2f3: {  	[tilespmem:s4], [sflag:$0x2] =	stream.indirect_vreg.gather [hbm4b:s5+s22], $0x80, v10, vm0, $0xb8;
	[tilespmem:$0x1BF80] =	vst v63  }
0x2f4: {  	s7 =	simm.s32 $0x15480  }
0x2f5: {  	[tilespmem:s7], [sflag:$0x2] =	stream.indirect_vreg.gather [hbm4b:s6+s22], $0x80, v10, vm0, $0xb8;
	[tilespmem:$0x1BF80] =	vst v63  }
0x2f6: {  	s8 =	simm.s32 $0x15C80  }
0x2f7: {  	[tilespmem:s8], [sflag:$0x2] =	stream.indirect_vreg.gather [hbm4b:s2+s22], $0x80, v9, vm0, $0xb8;
	[tilespmem:$0x1BF80] =	vst v63  }
0x2f8: {  	s9 =	simm.s32 $0x16480  }
0x2f9: {  	[tilespmem:s9], [sflag:$0x2] =	stream.indirect_vreg.gather [hbm4b:s5+s22], $0x80, v9, vm0, $0xb8;
	[tilespmem:$0x1BF80] =	vst v63  }
0x2fa: {  	s10 =	simm.s32 $0x16C80  }
0x2fb: {  	[tilespmem:s10], [sflag:$0x2] =	stream.indirect_vreg.gather [hbm4b:s6+s22], $0x80, v9, vm0, $0xb8;
	[tilespmem:$0x1BF80] =	vst v63  }
0x2fc: {  	v9 =	vld [tilespmem:$0xBF0];
	_ =	sdelay $0x4  }
0x2fd: {  	v10 =	vshrl.u32 v9, $0x3  }
0x2fe: {  	v10 =	vmul.u32 $0x30, v10  }
0x2ff: {  	v9 =	vand.u32 $0x7, v9  }
0x300: {  	v9 =	vor.u32 v9, v10  }
0x301: {  	v10 =	vperm.xlane v9, v6;
	_ =	sdelay $0x1  }
0x302: {  	v10 =	vadd.s32 v7, v10;
	_ =	sdelay $0x3  }
0x303: {  	s11 =	simm.s32 $0x17480;
	v9 =	vperm.xlane v9, v8  }
0x304: {  	[tilespmem:s11], [sflag:$0x2] =	stream.indirect_vreg.gather [hbm4b:s2+s22], $0x80, v10, vm0, $0xb8;
	[tilespmem:$0x1BF80] =	vst v63  }
0x305: {  	s12 =	simm.s32 $0x17C80;
	v9 =	vadd.s32 v7, v9  }
0x306: {  	[tilespmem:s12], [sflag:$0x2] =	stream.indirect_vreg.gather [hbm4b:s5+s22], $0x80, v10, vm0, $0xb8;
	[tilespmem:$0x1BF80] =	vst v63  }
0x307: {  	s13 =	simm.s32 $0x18480  }
0x308: {  	[tilespmem:s13], [sflag:$0x2] =	stream.indirect_vreg.gather [hbm4b:s6+s22], $0x80, v10, vm0, $0xb8;
	[tilespmem:$0x1BF80] =	vst v63  }
0x309: {  	s14 =	simm.s32 $0x18C80  }
0x30a: {  	[tilespmem:s14], [sflag:$0x2] =	stream.indirect_vreg.gather [hbm4b:s2+s22], $0x80, v9, vm0, $0xb8;
	[tilespmem:$0x1BF80] =	vst v63  }
0x30b: {  	s15 =	simm.s32 $0x19480  }
0x30c: {  	[tilespmem:s15], [sflag:$0x2] =	stream.indirect_vreg.gather [hbm4b:s5+s22], $0x80, v9, vm0, $0xb8;
	[tilespmem:$0x1BF80] =	vst v63  }
0x30d: {  	s19 =	simm.s32 $0x19C80  }
0x30e: {  	[tilespmem:s19], [sflag:$0x2] =	stream.indirect_vreg.gather [hbm4b:s6+s22], $0x80, v9, vm0, $0xb8;
	[tilespmem:$0x1BF80] =	vst v63  }
0x30f: {  	v9 =	vld.msk [tilespmem:$0xC00], $0xff;
	_ =	sdelay $0x4  }
0x310: {  	v10 =	vshrl.u32 v9, $0x3  }
0x311: {  	v10 =	vmul.u32 $0x30, v10  }
0x312: {  	v9 =	vand.u32 $0x7, v9  }
0x313: {  	v9 =	vor.u32 v9, v10  }
0x314: {  	v9 =	vperm.xlane v9, v6;
	_ =	sdelay $0x1  }
0x315: {  	v9 =	vadd.s32 v7, v9;
	_ =	sdelay $0x3  }
0x316: {  	s23 =	simm.s32 $0x1A480  }
0x317: {  	[tilespmem:s23], [sflag:$0x2] =	stream.indirect_vreg.gather [hbm4b:s2+s22], $0x80, v9, vm0, $0xb8;
	[tilespmem:$0x1BF80] =	vst v63  }
0x318: {  	s24 =	simm.s32 $0x1AC80  }
0x319: {  	[tilespmem:s24], [sflag:$0x2] =	stream.indirect_vreg.gather [hbm4b:s5+s22], $0x80, v9, vm0, $0xb8;
	[tilespmem:$0x1BF80] =	vst v63  }
0x31a: {  	s26 =	simm.s32 $0x1B480  }
0x31b: {  	[tilespmem:s26], [sflag:$0x2] =	stream.indirect_vreg.gather [hbm4b:s6+s22], $0x80, v9, vm0, $0xb8;
	[tilespmem:$0x1BF80] =	vst v63  }
0x31c: {  	_ =	swait.ge [sflag:s20], $0xC000  }
0x31d: {  	[sflag:s20] =	ssyncset.done $0x0  }
0x31e: {  	s23 =	rddreg [dreg:$0xd];
	[sflag:s20] =	ssyncadd.s32 $0xFFFF4000  }
0x31f: {  	[hbm4b:s23+s22] =	stream.linear.scatter [tilespmem:s16], [sflag:$0x3], $0xC000, $0x38;
	[tilespmem:$0x1BF80] =	vst v63  }
0x320: {  	_ =	swait.ge [sflag:s17], $0xC000  }
0x321: {  	[sflag:s17] =	ssyncset.done $0x0  }
0x322: {  	[sflag:s17] =	ssyncadd.s32 $0xFFFF4000  }
0x323: {  	_ =	swait.ge [sflag:s21], $0xD800  }
0x324: {  	[sflag:s21] =	ssyncset.done $0x0  }
0x325: {  	s28 =	rddreg [dreg:$0xe];
	[sflag:s21] =	ssyncadd.s32 $0xFFFF2800  }
0x326: {  	[hbm4b:s28+s22] =	stream.linear.scatter [tilespmem:s25], [sflag:$0x3], $0xC000, $0x38;
	[tilespmem:$0x1BF80] =	vst v63  }
0x327: {  	s29 =	sand.u32 $0x7000, s22;
	_ =	swait.ge [sflag:s17], $0xC000  }
0x328: {  	s23 =	sshrl.u32 s29, $0x2;
	s22 =	sand.u32 $0x70, s22;
	[sflag:s17] =	ssyncset.done $0x0  }
0x329: {  	s22 =	sor.u32 s22, s23;
	[sflag:s17] =	ssyncadd.s32 $0xFFFF4000  }
0x32a: {  	v9 =	vld [tilespmem:s22+$0x1A480];
	_ =	sdelay $0x1  }
0x32b: {  	s30 =	simm.s32 $0x200  }
0x32c: {  	s31 =	simm.s32 $0x10;
	s24 =	sand.u32 $0x7000, s30  }
0x32d: {  	s24 =	sshrl.u32 s24, $0x2;
	s23 =	sand.u32 $0x70, s31;
	s22 =	simm.s32 $0x1BC80  }
0x32e: {  	s24 =	sor.u32 s23, s24;
	[tilespmem:s22+$0x0] =	vst v9  }
0x32f: {  	v9 =	vld [tilespmem:s24+$0x1A480]  }
0x330: {  	s0 =	simm.s32 $0xC80;
	s23 =	simm.s32 $0x20;
	s24 =	simm.s32 $0x400  }
.LBB2_12:
0x331: {  	s25 =	sand.u32 $0x7000, s24;
	p0 =	sne.s32 s23, $0x2F0  }
0x332: {  	s26 =	smov.u32 s23;
	s23 =	sadd.s32 $0x10, s23;
	s22 =	sadd.s32 $0x10, s22  }
.Ltmp5:
0x333: {  	s26 =	sand.u32 $0x70, s26;
	s25 =	sshrl.u32 s25, $0x2;
	(pc) =	sbr.rel @p0 .LBB2_12-.Ltmp5, $3  }
0x334: {  	s25 =	sor.u32 s26, s25;
	[tilespmem:s22+$0x0] =	vst v9  }
0x335: {  	v9 =	vld [tilespmem:s25+$0x1A480];
	_ =	sdelay $0x1  }
0x336: {  	s24 =	sadd.s32 $0x200, s24  }
0x337: {  	_ = 	snop  }
0x338: {  	s22 =	sadd.s32 $0x10, s22;
	s19 =	rddreg [dreg:$0xf]  }
0x339: {  	s23 =	simm.s32 $0x80;
	s24 =	simm.s32 $0x400;
	s1 =	simm.s32 $0x1BC80;
	[tilespmem:s22+$0x0] =	vst v9  }
0x33a: {  	[hbm4b:s19+s23] =	stream.strided.scatter [tilespmem:s1], [sflag:$0x3], $0x300, s24, s23, $0x38;
	[tilespmem:$0x1BF80] =	vst v63  }
0x33b: {  	_ =	swait.ge [sflag:s17], $0x300  }
0x33c: {  	s25 =	rddreg [dreg:$0x11]  }
0x33d: {  	s26 =	rddreg [dreg:$0x10];
	s1 =	sadd.s32 $0x1, s25  }
0x33e: {  	p0 =	sne.s32 s1, s26  }
.Ltmp6:
0x33f: {  	_ = 	snop;
	(pc) =	sbr.rel @p0 .LBB2_1-.Ltmp6, $4  }
0x340: {  	_ = 	snop  }
0x341: {  	s28 =	simm.s32 $0xAC80;
	s29 =	simm.s32 $0xB480  }
0x342: {  	s30 =	simm.s32 $0xBC80;
	s31 =	simm.s32 $0xC480;
	[sflag:s17] =	ssyncset.done $0x0  }
0x343: {  	[sflag:s17] =	ssyncadd.s32 $0xFFFFFD00;
	s25 =	simm.s32 $0x1480;
	s26 =	simm.s32 $0x1C80  }
0x344: {  	_ =	sfence.sel $0x180000  }
0x345: {  	[bflag:$0x0] =	sbarrier.arrive $0xFFFF  }
0x346: {  	_ =	strace $0x90000047  }
0x347: {  	s0 =	stileid.u32;
	[bflag:$0x2] =	sbarrier.arrive $0xFFFF  }
0x348: {  	p0 =	sne.s32 s0, $0x0;
	s0 =	rddreg [dreg:$0x3]  }
0x349: {  	s0 =	sadd.s32 @!p0 $0x100000, s0  }
0x34a: {  	[sflag:s0] =	ssyncadd.tile.s32 @!p0 $0x1;
	_ =	shalt  }
.Lfunc_end2:
_tile_overlayer_lowered:
.L_overlay_start_2:
0x34b: {  	(tag) =	ssettag $0x2  }
0x34c: {  	s0 =	rddreg [dreg:$0x0];
	s2 =	stileid.u32  }
0x34d: {  	s1 =	rddreg [dreg:$0x1];
	p0 =	sne.s32 s2, $0x0  }
0x34e: {  	s3 =	rddreg [dreg:$0x2];
	[bflag:$0x3] =	sbarrier.arrive $0xFFFF;
	s2 =	simm.s32 @!p0 $0x1C03  }
0x34f: {  	[timem:s3], [sflag:s2] =	dma.local @!p0 [hbm:s0], s1  }
0x350: {  	s0 =	simm.s32 @!p0 $0x3  }
0x351: {  	_ =	swait.ge @!p0 [sflag:s0], s1  }
0x352: {  	s1 =	ssub.s32 @!p0 $0x0, s1;
	[sflag:s0] =	ssyncset.done @!p0 $0x0  }
0x353: {  	[sflag:s0] =	ssyncadd.s32 @!p0 s1  }
0x354: {  	[bflag:$0x3] =	sbarrier.arrive $0xFFFF  }
0x355: {  	_ =	shalt  }

</sc_bundles>
